<compile_context>
chip_gen: v7x
topology: tpu7x:2x2x1
jax: 0.10.2.dev20260603
libtpu: 0.0.44.dev20260713+nightly
codegen_flags: <defaults>
</compile_context>

<pallas_src>
import numpy as np
import jax
import jax.numpy as jnp
from jax import lax
from jax.experimental import pallas as pl
from jax.experimental.pallas import tpu as pltpu

_W = 512
_F = 16
_NR = 128
_ROWS = 16
_NBLK = _W // _ROWS
_RB = _ROWS * 64

_HIGH = lax.Precision.HIGHEST
_H3 = lax.Precision.HIGH


def _inv_counts():
    xi = np.arange(-_W // 2, _W // 2, dtype=np.float64)
    X, Y = np.meshgrid(xi, xi, indexing='ij')
    rid = (np.sqrt(X * X + Y * Y) // 4).astype(np.int64)
    cnt = np.bincount(rid.ravel(), minlength=_NR).astype(np.float64)
    inv = np.where(cnt > 0, 1.0 / np.maximum(cnt, 1.0), 0.0)
    return inv.astype(np.float32).reshape(_NR, 1)

_INV_NP = _inv_counts()

_E_NP = np.zeros((_F, 2 * _F), np.float32)
_O_NP = np.zeros((_F, 2 * _F), np.float32)
for _k in range(_F):
    _E_NP[_k, 2 * _k] = 1.0
    _O_NP[_k, 2 * _k + 1] = 1.0


def _oh_block(row0):
    rows = lax.broadcasted_iota(jnp.int32, (_RB, 1), 0)
    xi = (rows >> 6) + (row0 - _W // 2)
    ylow = ((rows & 63) << 3) - _W // 2
    cols = lax.broadcasted_iota(jnp.int32, (1, 8 * _NR), 1)
    pcol = cols >> 7
    kk = cols & 127
    y = ylow + pcol
    r2 = xi * xi + y * y
    lo = 16 * kk * kk
    hi = 16 * (kk + 1) * (kk + 1)
    return ((r2 >= lo) & (r2 < hi)).astype(jnp.float32)


def _delta(rows_n, rows_shift, cols_n, cols_shift):
    r = lax.broadcasted_iota(jnp.int32, (rows_n, 1), 0) >> rows_shift
    c = lax.broadcasted_iota(jnp.int32, (1, cols_n), 1) >> cols_shift
    return (r == c).astype(jnp.float32)


def _bd8(w, out_cols):
    return jnp.tile(w, (8, 8)) * _delta(128, 4, out_cols, 5)


def _pass1(ire_ref, iim_ref, m_ref, inv_ref, w1r_ref, w1i_ref,
           e_ref, o_ref, s_ref, acc_ref):
    pid = pl.program_id(0)

    @pl.when(pid == 0)
    def _():
        acc_ref[...] = jnp.zeros_like(acc_ref)

    a_re = ire_ref[...].reshape(_RB, 128)
    a_im = iim_ref[...].reshape(_RB, 128)
    a_cat = jnp.concatenate([a_re, a_im], axis=1)
    m8 = m_ref[...].reshape(_RB, 8)
    unc8 = (m8 == 0).astype(jnp.float32)
    exp128 = _delta(8, 0, 8 * _NR, 7)
    ohm = _oh_block(pid * _ROWS) * jnp.dot(unc8, exp128)
    res = lax.dot_general(ohm, a_cat, (((0,), (0,)), ((), ())),
                          preferred_element_type=jnp.float32)
    part_re = sum(res[p * 128:(p + 1) * 128, p * 16:p * 16 + 16]
                  for p in range(8))
    part_im = sum(res[p * 128:(p + 1) * 128, 128 + p * 16:128 + p * 16 + 16]
                  for p in range(8))
    acc_ref[...] += jnp.concatenate([part_re, part_im], axis=1)

    @pl.when(pid == _NBLK - 1)
    def _():
        inv = inv_ref[...]
        sum_re = acc_ref[:, :_F]
        sum_im = acc_ref[:, _F:]
        w1r = w1r_ref[...]
        w1i = w1i_ref[...]
        s_re = (jnp.dot(sum_re, w1r, precision=_HIGH)
                - jnp.dot(sum_im, w1i, precision=_HIGH)) * inv
        s_im = (jnp.dot(sum_re, w1i, precision=_HIGH)
                + jnp.dot(sum_im, w1r, precision=_HIGH)) * inv
        s_ref[...] = (jnp.dot(s_re, e_ref[...], precision=_HIGH)
                      + jnp.dot(s_im, o_ref[...], precision=_HIGH))


def _pass2(ire_ref, iim_ref, m_ref, s_ref,
           w1r_ref, w1i_ref, w2r_ref, w2i_ref, e_ref, o_ref,
           o_out, sbig_ref, w8_ref):
    pid = pl.program_id(0)

    @pl.when(pid == 0)
    def _():
        e = e_ref[...]
        o = o_ref[...]
        w1r = w1r_ref[...]; w1i = w1i_ref[...]
        w2r = w2r_ref[...]; w2i = w2i_ref[...]
        wa = 0.5 * (jnp.dot(w1r, e, precision=_HIGH)
                    + jnp.dot(w1i, o, precision=_HIGH))
        wb = 0.5 * (jnp.dot(w1r, o, precision=_HIGH)
                    - jnp.dot(w1i, e, precision=_HIGH))
        wc = (jnp.dot(w2r, e, precision=_HIGH)
              + jnp.dot(w2i, o, precision=_HIGH))
        wd = (jnp.dot(w2r, o, precision=_HIGH)
              - jnp.dot(w2i, e, precision=_HIGH))
        w8_ref[0] = _bd8(wa, 256)
        w8_ref[1] = _bd8(wb, 256)
        w8_ref[2] = _bd8(wc, 256)
        w8_ref[3] = _bd8(wd, 256)
        sbig_ref[...] = jnp.tile(s_ref[...], (8, 8)) * _delta(8 * _NR, 7,
                                                              256, 5)

    a_re = ire_ref[...].reshape(_RB, 128)
    a_im = iim_ref[...].reshape(_RB, 128)
    x1h = (jnp.dot(a_re, w8_ref[0])
           + jnp.dot(a_im, w8_ref[1]))
    x2 = (jnp.dot(a_re, w8_ref[2])
          + jnp.dot(a_im, w8_ref[3]))

    oh = _oh_block(pid * _ROWS)
    sg = jnp.dot(oh, sbig_ref[...])

    m8 = m_ref[...].reshape(_RB, 8).astype(jnp.float32)
    m_exp = jnp.dot(m8, _delta(8, 0, 256, 5))
    out_blk = ((1.0 - m_exp) * x1h + m_exp * x2
               + (0.5 - 1.5 * m_exp) * sg)
    o_out[...] = out_blk.reshape(_ROWS, 32 * _W)


def _full(shape):
    nd = len(shape)
    return pl.BlockSpec(shape, lambda i: (0,) * nd)


def kernel(input_image_re, input_image_im, input_mask, output_re, output_im,
           w1_re, w2_re, w1_im, w2_im):
    del output_re, output_im
    inv = jnp.asarray(_INV_NP)
    e_m = jnp.asarray(_E_NP)
    o_m = jnp.asarray(_O_NP)
    a2_re = input_image_re.reshape(_W, _W * _F)
    a2_im = input_image_im.reshape(_W, _W * _F)
    mask8 = input_mask.reshape(_W, 64, 8)

    img_spec = pl.BlockSpec((_ROWS, _W * _F), lambda i: (i, 0))
    msk_spec = pl.BlockSpec((_ROWS, 64, 8), lambda i: (i, 0, 0))

    s_table = pl.pallas_call(
        _pass1,
        grid=(_NBLK,),
        in_specs=[img_spec, img_spec, msk_spec,
                  _full((_NR, 1)), _full((_F, _F)), _full((_F, _F)),
                  _full((_F, 2 * _F)), _full((_F, 2 * _F))],
        out_specs=_full((_NR, 2 * _F)),
        out_shape=jax.ShapeDtypeStruct((_NR, 2 * _F), jnp.float32),
        scratch_shapes=[pltpu.VMEM((_NR, 2 * _F), jnp.float32)],
    )(a2_re, a2_im, mask8, inv, w1_re, w1_im, e_m, o_m)

    out2 = pl.pallas_call(
        _pass2,
        grid=(_NBLK,),
        in_specs=[img_spec, img_spec, msk_spec, _full((_NR, 2 * _F)),
                  _full((_F, _F)), _full((_F, _F)),
                  _full((_F, _F)), _full((_F, _F)),
                  _full((_F, 2 * _F)), _full((_F, 2 * _F))],
        out_specs=pl.BlockSpec((_ROWS, 32 * _W), lambda i: (i, 0)),
        out_shape=jax.ShapeDtypeStruct((_W, 32 * _W), jnp.float32),
        scratch_shapes=[pltpu.VMEM((8 * _NR, 2 * 128), jnp.float32),
                        pltpu.VMEM((4, 128, 2 * 128), jnp.float32)],
    )(a2_re, a2_im, mask8, s_table, w1_re, w1_im, w2_re, w2_im, e_m, o_m)

    return out2.reshape(_W, _W, _F, 2)

# --- scband reference (transcript-rebuilt; emitter-appended) ---
"""Pipeline reference for scband-fgnn-71150428225623 (READ-ONLY COPY).

The authoritative reference and input builder live on the scoring server;
editing this copy changes nothing except your own understanding.
"""

import jax, jax.numpy as jnp
import numpy as np

W_H = 512
RING_WIDTH = 4
IN_F = 16
OUT_F = 16
MAX_NEIGH = 1000000


def _make_rings():
    x = np.arange(-W_H / 2, W_H / 2, dtype=np.float64)
    y = np.arange(-W_H / 2, W_H / 2, dtype=np.float64)
    X, Y = np.meshgrid(x, y, indexing='ij')
    r = np.sqrt(np.square(X) + np.square(Y))
    len_r = int(np.sqrt(np.square(W_H / 2) + np.square(W_H / 2))) + 1
    if len_r % RING_WIDTH != 0:
        iter_r = len_r // RING_WIDTH + 1
    else:
        iter_r = len_r // RING_WIDTH
    rings = []
    for rr in range(iter_r):
        idx = np.where((r >= rr * RING_WIDTH) & (r < (rr + 1) * RING_WIDTH))
        rings.append((jnp.asarray(idx[0], dtype=jnp.int32), jnp.asarray(idx[1], dtype=jnp.int32), int(idx[0].shape[0])))
    return rings

RINGS = _make_rings()


def setup_inputs(seed: int = 0):
    key = jax.random.key(seed)
    k = jax.random.split(key, 8)
    return {
        'input_image_re': jax.random.normal(k[0], (W_H, W_H, IN_F), dtype=jnp.float32),
        'input_image_im': jax.random.normal(k[1], (W_H, W_H, IN_F), dtype=jnp.float32),
        'input_mask': jax.random.randint(k[2], (W_H, W_H), 0, 2, dtype=jnp.int32),
        'output_re': jnp.zeros((W_H, W_H, OUT_F), dtype=jnp.float32),
        'output_im': jnp.zeros((W_H, W_H, OUT_F), dtype=jnp.float32),
        'w1_re': jax.random.normal(k[3], (IN_F, OUT_F), dtype=jnp.float32),
        'w2_re': jax.random.normal(k[4], (IN_F, OUT_F), dtype=jnp.float32),
        'w1_im': jax.random.normal(k[5], (IN_F, OUT_F), dtype=jnp.float32),
        'w2_im': jax.random.normal(k[6], (IN_F, OUT_F), dtype=jnp.float32),
    }


def reference(input_image_re, input_image_im, input_mask, output_re, output_im, w1_re, w2_re, w1_im, w2_im):
    # Complex arithmetic is carried as explicit (re, im) float32 pairs.
    # With MAX_NEIGH = 1e6 > any annulus size, the deterministic
    # (n <= max_neigh) branch is always taken, where neighbor == h_p.
    out_re, out_im = output_re, output_im
    for i0, i1, n in RINGS:
        if n == 0:
            continue
        av_re = input_image_re[i0, i1]
        av_im = input_image_im[i0, i1]
        m = input_mask[i0, i1]
        unc = (m == 0).astype(jnp.float32)[:, None]
        corm = (m == 1).astype(jnp.float32)[:, None]
        u_re = av_re * unc
        u_im = av_im * unc
        c_re = av_re * corm
        c_im = av_im * corm
        # uncor_operator(h_p=uncor_neigh, neighbor=uncor_neigh)
        mul_re = u_re @ w1_re - u_im @ w1_im
        mul_im = u_re @ w1_im + u_im @ w1_re
        s_re = jnp.mean(mul_re, axis=0, keepdims=True)
        s_im = jnp.mean(mul_im, axis=0, keepdims=True)
        o_re = 0.5 * (mul_re + s_re)
        o_im = 0.5 * (mul_im + s_im)
        uout_re = unc * o_re
        uout_im = unc * o_im
        # cor_operator(h_p=cor_neigh, sum=sum)
        cmul_re = c_re @ w2_re - c_im @ w2_im
        cmul_im = c_re @ w2_im + c_im @ w2_re
        cout_re = corm * (cmul_re - s_re)
        cout_im = corm * (cmul_im - s_im)
        out_re = out_re.at[i0, i1].set(uout_re + cout_re)
        out_im = out_im.at[i0, i1].set(uout_im + cout_im)
    return jnp.stack([out_re, out_im], axis=-1)

if __name__ == "__main__":
    import jax
    _d = setup_inputs()
    print(jax.jit(kernel)(*tuple(_d.values())))

</pallas_src>

<mosaic_0001>
module attributes {stable_mosaic.version = 14 : i64} {
  func.func @_pass1(%arg0: i32, %arg1: memref<16x8192xf32, #tpu.memory_space<vmem>>, %arg2: memref<16x8192xf32, #tpu.memory_space<vmem>>, %arg3: memref<16x64x8xi32, #tpu.memory_space<vmem>>, %arg4: memref<128x1xf32, #tpu.memory_space<vmem>>, %arg5: memref<16x16xf32, #tpu.memory_space<vmem>>, %arg6: memref<16x16xf32, #tpu.memory_space<vmem>>, %arg7: memref<16x32xf32, #tpu.memory_space<vmem>>, %arg8: memref<16x32xf32, #tpu.memory_space<vmem>>, %arg9: memref<128x32xf32, #tpu.memory_space<vmem>>, %arg10: memref<128x32xf32, #tpu.memory_space<vmem>>) attributes {dimension_semantics = [#tpu.dimension_semantics<arbitrary>], iteration_bounds = array<i64: 32>, scalar_prefetch = 0 : i64, scratch_operands = 1 : i64, tpu.core_type = #tpu.core_type<tc>, window_params = [{transform_indices = @transform_0, window_bounds = array<i64: 16, 8192>}, {transform_indices = @transform_1, window_bounds = array<i64: 16, 8192>}, {transform_indices = @transform_2, window_bounds = array<i64: 16, 64, 8>}, {pipeline_mode = #tpu.pipeline_mode<synchronous>, transform_indices = @transform_3, window_bounds = array<i64: 128, 1>}, {pipeline_mode = #tpu.pipeline_mode<synchronous>, transform_indices = @transform_4, window_bounds = array<i64: 16, 16>}, {pipeline_mode = #tpu.pipeline_mode<synchronous>, transform_indices = @transform_5, window_bounds = array<i64: 16, 16>}, {pipeline_mode = #tpu.pipeline_mode<synchronous>, transform_indices = @transform_6, window_bounds = array<i64: 16, 32>}, {pipeline_mode = #tpu.pipeline_mode<synchronous>, transform_indices = @transform_7, window_bounds = array<i64: 16, 32>}, {pipeline_mode = #tpu.pipeline_mode<synchronous>, transform_indices = @transform_8, window_bounds = array<i64: 128, 32>}]} {
    %eq3A = arith.constant 0 : i32
    %eq3A_0 = arith.cmpi eq, %arg0, %eq3A : i32
    %convert_element_type3A = arith.extui %eq3A_0 : i1 to i32
    %cond3A = arith.constant 0 : i32
    %cond3A_1 = arith.cmpi ne, %convert_element_type3A, %cond3A : i32
    scf.if %cond3A_1 {
      %broadcast_in_dim3A = arith.constant 0.000000e+00 : f32
      %broadcast_in_dim3A_127 = vector.broadcast %broadcast_in_dim3A : f32 to vector<128x32xf32>
      %swap3A_128 = arith.constant 0 : index
      %swap3A_129 = arith.constant 0 : index
      %swap3A_130 = vector.load %arg10[%swap3A_128, %swap3A_129] : memref<128x32xf32, #tpu.memory_space<vmem>>, vector<128x32xf32>
      tpu.vector_store %arg10[%swap3A_128, %swap3A_129], %broadcast_in_dim3A_127 {strides = array<i32>} : memref<128x32xf32, #tpu.memory_space<vmem>>, vector<128x32xf32>,
    } else {
    }
    %get3A = arith.constant 0 : index
    %get3A_2 = arith.constant 0 : index
    %get3A_3 = vector.load %arg1[%get3A, %get3A_2] : memref<16x8192xf32, #tpu.memory_space<vmem>>, vector<16x8192xf32>
    %reshape3A = vector.shape_cast %get3A_3 : vector<16x8192xf32> to vector<1024x128xf32>
    %get3A_4 = arith.constant 0 : index
    %get3A_5 = arith.constant 0 : index
    %get3A_6 = vector.load %arg2[%get3A_4, %get3A_5] : memref<16x8192xf32, #tpu.memory_space<vmem>>, vector<16x8192xf32>
    %reshape3A_7 = vector.shape_cast %get3A_6 : vector<16x8192xf32> to vector<1024x128xf32>
    %concatenate3A = tpu.concatenate %reshape3A, %reshape3A_7 in 1 : vector<1024x128xf32>, vector<1024x128xf32> -> vector<1024x256xf32>
    %get3A_8 = arith.constant 0 : index
    %get3A_9 = arith.constant 0 : index
    %get3A_10 = arith.constant 0 : index
    %get3A_11 = vector.load %arg3[%get3A_8, %get3A_9, %get3A_10] : memref<16x64x8xi32, #tpu.memory_space<vmem>>, vector<16x64x8xi32>
    %reshape3A_12 = vector.shape_cast %get3A_11 : vector<16x64x8xi32> to vector<1024x8xi32>
    %eq3A_13 = arith.constant 0 : i32
    %eq3A_14 = vector.broadcast %eq3A_13 : i32 to vector<1024x8xi32>
    %eq3A_15 = arith.cmpi eq, %reshape3A_12, %eq3A_14 : vector<1024x8xi32>
    %convert_element_type3A_16 = arith.extui %eq3A_15 : vector<1024x8xi1> to vector<1024x8xi32>
    %convert_element_type3A_17 = arith.sitofp %convert_element_type3A_16 : vector<1024x8xi32> to vector<1024x8xf32>
    %iota3A = tpu.iota {dimensions = array<i32: 0>} : vector<8x1xi32>
    %shift_right_arithmetic3A = arith.constant 0 : i32
    %shift_right_arithmetic3A_18 = vector.broadcast %shift_right_arithmetic3A : i32 to vector<8x1xi32>
    %shift_right_arithmetic3A_19 = arith.shrsi %iota3A, %shift_right_arithmetic3A_18 : vector<8x1xi32>
    %iota3A_20 = tpu.iota {dimensions = array<i32: 1>} : vector<1x1024xi32>
    %shift_right_arithmetic3A_21 = arith.constant 7 : i32
    %shift_right_arithmetic3A_22 = vector.broadcast %shift_right_arithmetic3A_21 : i32 to vector<1x1024xi32>
    %shift_right_arithmetic3A_23 = arith.shrsi %iota3A_20, %shift_right_arithmetic3A_22 : vector<1x1024xi32>
    %eq3A_24 = vector.broadcast %shift_right_arithmetic3A_19 : vector<8x1xi32> to vector<8x1024xi32>
    %eq3A_25 = vector.broadcast %shift_right_arithmetic3A_23 : vector<1x1024xi32> to vector<8x1024xi32>
    %eq3A_26 = arith.cmpi eq, %eq3A_24, %eq3A_25 : vector<8x1024xi32>
    %convert_element_type3A_27 = arith.extui %eq3A_26 : vector<8x1024xi1> to vector<8x1024xi32>
    %convert_element_type3A_28 = arith.sitofp %convert_element_type3A_27 : vector<8x1024xi32> to vector<8x1024xf32>
    %mul3A = arith.constant 16 : i32
    %mul3A_29 = arith.muli %arg0, %mul3A : i32
    %iota3A_30 = tpu.iota {dimensions = array<i32: 0>} : vector<1024x1xi32>
    %shift_right_arithmetic3A_31 = arith.constant 6 : i32
    %shift_right_arithmetic3A_32 = vector.broadcast %shift_right_arithmetic3A_31 : i32 to vector<1024x1xi32>
    %shift_right_arithmetic3A_33 = arith.shrsi %iota3A_30, %shift_right_arithmetic3A_32 : vector<1024x1xi32>
    %sub3A = arith.constant 256 : i32
    %sub3A_34 = arith.subi %mul3A_29, %sub3A : i32
    %add3A = vector.broadcast %sub3A_34 : i32 to vector<1024x1xi32>
    %add3A_35 = arith.addi %shift_right_arithmetic3A_33, %add3A : vector<1024x1xi32>
    %and3A = arith.constant 63 : i32
    %and3A_36 = vector.broadcast %and3A : i32 to vector<1024x1xi32>
    %and3A_37 = arith.andi %iota3A_30, %and3A_36 : vector<1024x1xi32>
    %shift_left3A = arith.constant 3 : i32
    %shift_left3A_38 = vector.broadcast %shift_left3A : i32 to vector<1024x1xi32>
    %shift_left3A_39 = arith.shli %and3A_37, %shift_left3A_38 : vector<1024x1xi32>
    %sub3A_40 = arith.constant 256 : i32
    %sub3A_41 = vector.broadcast %sub3A_40 : i32 to vector<1024x1xi32>
    %sub3A_42 = arith.subi %shift_left3A_39, %sub3A_41 : vector<1024x1xi32>
    %iota3A_43 = tpu.iota {dimensions = array<i32: 1>} : vector<1x1024xi32>
    %shift_right_arithmetic3A_44 = arith.constant 7 : i32
    %shift_right_arithmetic3A_45 = vector.broadcast %shift_right_arithmetic3A_44 : i32 to vector<1x1024xi32>
    %shift_right_arithmetic3A_46 = arith.shrsi %iota3A_43, %shift_right_arithmetic3A_45 : vector<1x1024xi32>
    %and3A_47 = arith.constant 127 : i32
    %and3A_48 = vector.broadcast %and3A_47 : i32 to vector<1x1024xi32>
    %and3A_49 = arith.andi %iota3A_43, %and3A_48 : vector<1x1024xi32>
    %add3A_50 = vector.broadcast %sub3A_42 : vector<1024x1xi32> to vector<1024x1024xi32>
    %add3A_51 = vector.broadcast %shift_right_arithmetic3A_46 : vector<1x1024xi32> to vector<1024x1024xi32>
    %add3A_52 = arith.addi %add3A_50, %add3A_51 : vector<1024x1024xi32>
    %mul3A_53 = arith.muli %add3A_35, %add3A_35 : vector<1024x1xi32>
    %mul3A_54 = arith.muli %add3A_52, %add3A_52 : vector<1024x1024xi32>
    %add3A_55 = vector.broadcast %mul3A_53 : vector<1024x1xi32> to vector<1024x1024xi32>
    %add3A_56 = arith.addi %add3A_55, %mul3A_54 : vector<1024x1024xi32>
    %mul3A_57 = arith.constant 16 : i32
    %mul3A_58 = vector.broadcast %mul3A_57 : i32 to vector<1x1024xi32>
    %mul3A_59 = arith.muli %mul3A_58, %and3A_49 : vector<1x1024xi32>
    %mul3A_60 = arith.muli %mul3A_59, %and3A_49 : vector<1x1024xi32>
    %add3A_61 = arith.constant 1 : i32
    %add3A_62 = vector.broadcast %add3A_61 : i32 to vector<1x1024xi32>
    %add3A_63 = arith.addi %and3A_49, %add3A_62 : vector<1x1024xi32>
    %mul3A_64 = arith.constant 16 : i32
    %mul3A_65 = vector.broadcast %mul3A_64 : i32 to vector<1x1024xi32>
    %mul3A_66 = arith.muli %mul3A_65, %add3A_63 : vector<1x1024xi32>
    %add3A_67 = arith.constant 1 : i32
    %add3A_68 = vector.broadcast %add3A_67 : i32 to vector<1x1024xi32>
    %add3A_69 = arith.addi %and3A_49, %add3A_68 : vector<1x1024xi32>
    %mul3A_70 = arith.muli %mul3A_66, %add3A_69 : vector<1x1024xi32>
    %ge3A = vector.broadcast %mul3A_60 : vector<1x1024xi32> to vector<1024x1024xi32>
    %ge3A_71 = arith.cmpi sge, %add3A_56, %ge3A : vector<1024x1024xi32>
    %lt3A = vector.broadcast %mul3A_70 : vector<1x1024xi32> to vector<1024x1024xi32>
    %lt3A_72 = arith.cmpi slt, %add3A_56, %lt3A : vector<1024x1024xi32>
    %and3A_73 = arith.andi %ge3A_71, %lt3A_72 : vector<1024x1024xi1>
    %convert_element_type3A_74 = arith.extui %and3A_73 : vector<1024x1024xi1> to vector<1024x1024xi32>
    %convert_element_type3A_75 = arith.sitofp %convert_element_type3A_74 : vector<1024x1024xi32> to vector<1024x1024xf32>
    %dot_general3A = arith.constant dense<0.000000e+00> : vector<1024x1024xf32>
    %dot_general3A_76 = tpu.matmul %convert_element_type3A_17, %convert_element_type3A_28, %dot_general3A {dimension_numbers = #tpu.dot_dimension_numbers<[1], [0], [0], [1], [0, 0, 1, 1], [], []>, transpose_lhs_hint = false} : vector<1024x8xf32>, vector<8x1024xf32>, vector<1024x1024xf32> -> vector<1024x1024xf32>
    %mul3A_77 = arith.mulf %convert_element_type3A_75, %dot_general3A_76 : vector<1024x1024xf32>
    %dot_general3A_78 = arith.constant dense<0.000000e+00> : vector<1024x256xf32>
    %dot_general3A_79 = tpu.matmul %mul3A_77, %concatenate3A, %dot_general3A_78 {dimension_numbers = #tpu.dot_dimension_numbers<[0], [0], [1], [1], [0, 1, 1, 1], [], []>, transpose_lhs_hint = false} : vector<1024x1024xf32>, vector<1024x256xf32>, vector<1024x256xf32> -> vector<1024x256xf32>
    %slice3A = vector.extract_strided_slice %dot_general3A_79 {offsets = [0, 0], sizes = [128, 16], strides = [1, 1]} : vector<1024x256xf32> to vector<128x16xf32>
    %add3A_80 = arith.constant 0.000000e+00 : f32
    %add3A_81 = vector.broadcast %add3A_80 : f32 to vector<128x16xf32>
    %add3A_82 = arith.addf %add3A_81, %slice3A : vector<128x16xf32>
    %slice3A_83 = vector.extract_strided_slice %dot_general3A_79 {offsets = [128, 16], sizes = [128, 16], strides = [1, 1]} : vector<1024x256xf32> to vector<128x16xf32>
    %add3A_84 = arith.addf %add3A_82, %slice3A_83 : vector<128x16xf32>
    %slice3A_85 = vector.extract_strided_slice %dot_general3A_79 {offsets = [256, 32], sizes = [128, 16], strides = [1, 1]} : vector<1024x256xf32> to vector<128x16xf32>
    %add3A_86 = arith.addf %add3A_84, %slice3A_85 : vector<128x16xf32>
    %slice3A_87 = vector.extract_strided_slice %dot_general3A_79 {offsets = [384, 48], sizes = [128, 16], strides = [1, 1]} : vector<1024x256xf32> to vector<128x16xf32>
    %add3A_88 = arith.addf %add3A_86, %slice3A_87 : vector<128x16xf32>
    %slice3A_89 = vector.extract_strided_slice %dot_general3A_79 {offsets = [512, 64], sizes = [128, 16], strides = [1, 1]} : vector<1024x256xf32> to vector<128x16xf32>
    %add3A_90 = arith.addf %add3A_88, %slice3A_89 : vector<128x16xf32>
    %slice3A_91 = vector.extract_strided_slice %dot_general3A_79 {offsets = [640, 80], sizes = [128, 16], strides = [1, 1]} : vector<1024x256xf32> to vector<128x16xf32>
    %add3A_92 = arith.addf %add3A_90, %slice3A_91 : vector<128x16xf32>
    %slice3A_93 = vector.extract_strided_slice %dot_general3A_79 {offsets = [768, 96], sizes = [128, 16], strides = [1, 1]} : vector<1024x256xf32> to vector<128x16xf32>
    %add3A_94 = arith.addf %add3A_92, %slice3A_93 : vector<128x16xf32>
    %slice3A_95 = vector.extract_strided_slice %dot_general3A_79 {offsets = [896, 112], sizes = [128, 16], strides = [1, 1]} : vector<1024x256xf32> to vector<128x16xf32>
    %add3A_96 = arith.addf %add3A_94, %slice3A_95 : vector<128x16xf32>
    %slice3A_97 = vector.extract_strided_slice %dot_general3A_79 {offsets = [0, 128], sizes = [128, 16], strides = [1, 1]} : vector<1024x256xf32> to vector<128x16xf32>
    %add3A_98 = arith.constant 0.000000e+00 : f32
    %add3A_99 = vector.broadcast %add3A_98 : f32 to vector<128x16xf32>
    %add3A_100 = arith.addf %add3A_99, %slice3A_97 : vector<128x16xf32>
    %slice3A_101 = vector.extract_strided_slice %dot_general3A_79 {offsets = [128, 144], sizes = [128, 16], strides = [1, 1]} : vector<1024x256xf32> to vector<128x16xf32>
    %add3A_102 = arith.addf %add3A_100, %slice3A_101 : vector<128x16xf32>
    %slice3A_103 = vector.extract_strided_slice %dot_general3A_79 {offsets = [256, 160], sizes = [128, 16], strides = [1, 1]} : vector<1024x256xf32> to vector<128x16xf32>
    %add3A_104 = arith.addf %add3A_102, %slice3A_103 : vector<128x16xf32>
    %slice3A_105 = vector.extract_strided_slice %dot_general3A_79 {offsets = [384, 176], sizes = [128, 16], strides = [1, 1]} : vector<1024x256xf32> to vector<128x16xf32>
    %add3A_106 = arith.addf %add3A_104, %slice3A_105 : vector<128x16xf32>
    %slice3A_107 = vector.extract_strided_slice %dot_general3A_79 {offsets = [512, 192], sizes = [128, 16], strides = [1, 1]} : vector<1024x256xf32> to vector<128x16xf32>
    %add3A_108 = arith.addf %add3A_106, %slice3A_107 : vector<128x16xf32>
    %slice3A_109 = vector.extract_strided_slice %dot_general3A_79 {offsets = [640, 208], sizes = [128, 16], strides = [1, 1]} : vector<1024x256xf32> to vector<128x16xf32>
    %add3A_110 = arith.addf %add3A_108, %slice3A_109 : vector<128x16xf32>
    %slice3A_111 = vector.extract_strided_slice %dot_general3A_79 {offsets = [768, 224], sizes = [128, 16], strides = [1, 1]} : vector<1024x256xf32> to vector<128x16xf32>
    %add3A_112 = arith.addf %add3A_110, %slice3A_111 : vector<128x16xf32>
    %slice3A_113 = vector.extract_strided_slice %dot_general3A_79 {offsets = [896, 240], sizes = [128, 16], strides = [1, 1]} : vector<1024x256xf32> to vector<128x16xf32>
    %add3A_114 = arith.addf %add3A_112, %slice3A_113 : vector<128x16xf32>
    %get3A_115 = arith.constant 0 : index
    %get3A_116 = arith.constant 0 : index
    %get3A_117 = vector.load %arg10[%get3A_115, %get3A_116] : memref<128x32xf32, #tpu.memory_space<vmem>>, vector<128x32xf32>
    %concatenate3A_118 = tpu.concatenate %add3A_96, %add3A_114 in 1 : vector<128x16xf32>, vector<128x16xf32> -> vector<128x32xf32>
    %add3A_119 = arith.addf %get3A_117, %concatenate3A_118 : vector<128x32xf32>
    %swap3A = arith.constant 0 : index
    %swap3A_120 = arith.constant 0 : index
    %swap3A_121 = vector.load %arg10[%swap3A, %swap3A_120] : memref<128x32xf32, #tpu.memory_space<vmem>>, vector<128x32xf32>
    tpu.vector_store %arg10[%swap3A, %swap3A_120], %add3A_119 {strides = array<i32>} : memref<128x32xf32, #tpu.memory_space<vmem>>, vector<128x32xf32>,
    %eq3A_122 = arith.constant 31 : i32
    %eq3A_123 = arith.cmpi eq, %arg0, %eq3A_122 : i32
    %convert_element_type3A_124 = arith.extui %eq3A_123 : i1 to i32
    %cond3A_125 = arith.constant 0 : i32
    %cond3A_126 = arith.cmpi ne, %convert_element_type3A_124, %cond3A_125 : i32
    scf.if %cond3A_126 {
      %get3A_127 = arith.constant 0 : index
      %get3A_128 = arith.constant 0 : index
      %get3A_129 = vector.load %arg4[%get3A_127, %get3A_128] : memref<128x1xf32, #tpu.memory_space<vmem>>, vector<128x1xf32>
      %get3A_130 = arith.constant 0 : index
      %get3A_131 = arith.constant 0 : index
      %get3A_132 = vector.load %arg10[%get3A_130, %get3A_131] : memref<128x32xf32, #tpu.memory_space<vmem>>, vector<128x16xf32>
      %get3A_133 = arith.constant 0 : index
      %get3A_134 = arith.constant 16 : index
      %get3A_135 = vector.load %arg10[%get3A_133, %get3A_134] : memref<128x32xf32, #tpu.memory_space<vmem>>, vector<128x16xf32>
      %get3A_136 = arith.constant 0 : index
      %get3A_137 = arith.constant 0 : index
      %get3A_138 = vector.load %arg5[%get3A_136, %get3A_137] : memref<16x16xf32, #tpu.memory_space<vmem>>, vector<16x16xf32>
      %get3A_139 = arith.constant 0 : index
      %get3A_140 = arith.constant 0 : index
      %get3A_141 = vector.load %arg6[%get3A_139, %get3A_140] : memref<16x16xf32, #tpu.memory_space<vmem>>, vector<16x16xf32>
      %dot_general3A_142 = arith.constant dense<0.000000e+00> : vector<128x16xf32>
      %dot_general3A_143 = tpu.matmul %get3A_132, %get3A_138, %dot_general3A_142 {dimension_numbers = #tpu.dot_dimension_numbers<[1], [0], [0], [1], [0, 0, 1, 1], [], []>, precision = #tpu.contract_precision<fp32>, transpose_lhs_hint = false} : vector<128x16xf32>, vector<16x16xf32>, vector<128x16xf32> -> vector<128x16xf32>
      %dot_general3A_144 = arith.constant dense<0.000000e+00> : vector<128x16xf32>
      %dot_general3A_145 = tpu.matmul %get3A_135, %get3A_141, %dot_general3A_144 {dimension_numbers = #tpu.dot_dimension_numbers<[1], [0], [0], [1], [0, 0, 1, 1], [], []>, precision = #tpu.contract_precision<fp32>, transpose_lhs_hint = false} : vector<128x16xf32>, vector<16x16xf32>, vector<128x16xf32> -> vector<128x16xf32>
      %sub3A_146 = arith.subf %dot_general3A_143, %dot_general3A_145 : vector<128x16xf32>
      %mul3A_147 = vector.broadcast %get3A_129 : vector<128x1xf32> to vector<128x16xf32>
      %mul3A_148 = arith.mulf %sub3A_146, %mul3A_147 : vector<128x16xf32>
      %dot_general3A_149 = arith.constant dense<0.000000e+00> : vector<128x16xf32>
      %dot_general3A_150 = tpu.matmul %get3A_132, %get3A_141, %dot_general3A_149 {dimension_numbers = #tpu.dot_dimension_numbers<[1], [0], [0], [1], [0, 0, 1, 1], [], []>, precision = #tpu.contract_precision<fp32>, transpose_lhs_hint = false} : vector<128x16xf32>, vector<16x16xf32>, vector<128x16xf32> -> vector<128x16xf32>
      %dot_general3A_151 = arith.constant dense<0.000000e+00> : vector<128x16xf32>
      %dot_general3A_152 = tpu.matmul %get3A_135, %get3A_138, %dot_general3A_151 {dimension_numbers = #tpu.dot_dimension_numbers<[1], [0], [0], [1], [0, 0, 1, 1], [], []>, precision = #tpu.contract_precision<fp32>, transpose_lhs_hint = false} : vector<128x16xf32>, vector<16x16xf32>, vector<128x16xf32> -> vector<128x16xf32>
      %add3A_153 = arith.addf %dot_general3A_150, %dot_general3A_152 : vector<128x16xf32>
      %mul3A_154 = vector.broadcast %get3A_129 : vector<128x1xf32> to vector<128x16xf32>
      %mul3A_155 = arith.mulf %add3A_153, %mul3A_154 : vector<128x16xf32>
      %get3A_156 = arith.constant 0 : index
      %get3A_157 = arith.constant 0 : index
      %get3A_158 = vector.load %arg7[%get3A_156, %get3A_157] : memref<16x32xf32, #tpu.memory_space<vmem>>, vector<16x32xf32>
      %dot_general3A_159 = arith.constant dense<0.000000e+00> : vector<128x32xf32>
      %dot_general3A_160 = tpu.matmul %mul3A_148, %get3A_158, %dot_general3A_159 {dimension_numbers = #tpu.dot_dimension_numbers<[1], [0], [0], [1], [0, 0, 1, 1], [], []>, precision = #tpu.contract_precision<fp32>, transpose_lhs_hint = false} : vector<128x16xf32>, vector<16x32xf32>, vector<128x32xf32> -> vector<128x32xf32>
      %get3A_161 = arith.constant 0 : index
      %get3A_162 = arith.constant 0 : index
      %get3A_163 = vector.load %arg8[%get3A_161, %get3A_162] : memref<16x32xf32, #tpu.memory_space<vmem>>, vector<16x32xf32>
      %dot_general3A_164 = arith.constant dense<0.000000e+00> : vector<128x32xf32>
      %dot_general3A_165 = tpu.matmul %mul3A_155, %get3A_163, %dot_general3A_164 {dimension_numbers = #tpu.dot_dimension_numbers<[1], [0], [0], [1], [0, 0, 1, 1], [], []>, precision = #tpu.contract_precision<fp32>, transpose_lhs_hint = false} : vector<128x16xf32>, vector<16x32xf32>, vector<128x32xf32> -> vector<128x32xf32>
      %add3A_166 = arith.addf %dot_general3A_160, %dot_general3A_165 : vector<128x32xf32>
      %swap3A_167 = arith.constant 0 : index
      %swap3A_168 = arith.constant 0 : index
      %swap3A_169 = vector.load %arg9[%swap3A_167, %swap3A_168] : memref<128x32xf32, #tpu.memory_space<vmem>>, vector<128x32xf32>
      tpu.vector_store %arg9[%swap3A_167, %swap3A_168], %add3A_166 {strides = array<i32>} : memref<128x32xf32, #tpu.memory_space<vmem>>, vector<128x32xf32>,
    } else {
    }
    return
  }
  func.func @transform_0(%arg0: i32) -> (i32, i32) {
    %c0_i32 = arith.constant 0 : i32
    %c0_i32_0 = arith.constant 0 : i32
    return %arg0, %c0_i32 : i32, i32
  }
  func.func @transform_1(%arg0: i32) -> (i32, i32) {
    %c0_i32 = arith.constant 0 : i32
    %c0_i32_0 = arith.constant 0 : i32
    return %arg0, %c0_i32 : i32, i32
  }
  func.func @transform_2(%arg0: i32) -> (i32, i32, i32) {
    %c0_i32 = arith.constant 0 : i32
    %c0_i32_0 = arith.constant 0 : i32
    %c0_i32_1 = arith.constant 0 : i32
    return %arg0, %c0_i32, %c0_i32_0 : i32, i32, i32
  }
  func.func @transform_3(%arg0: i32) -> (i32, i32) {
    %c0_i32 = arith.constant 0 : i32
    %c0_i32_0 = arith.constant 0 : i32
    %c0_i32_1 = arith.constant 0 : i32
    return %c0_i32, %c0_i32_0 : i32, i32
  }
  func.func @transform_4(%arg0: i32) -> (i32, i32) {
    %c0_i32 = arith.constant 0 : i32
    %c0_i32_0 = arith.constant 0 : i32
    %c0_i32_1 = arith.constant 0 : i32
    return %c0_i32, %c0_i32_0 : i32, i32
  }
  func.func @transform_5(%arg0: i32) -> (i32, i32) {
    %c0_i32 = arith.constant 0 : i32
    %c0_i32_0 = arith.constant 0 : i32
    %c0_i32_1 = arith.constant 0 : i32
    return %c0_i32, %c0_i32_0 : i32, i32
  }
  func.func @transform_6(%arg0: i32) -> (i32, i32) {
    %c0_i32 = arith.constant 0 : i32
    %c0_i32_0 = arith.constant 0 : i32
    %c0_i32_1 = arith.constant 0 : i32
    return %c0_i32, %c0_i32_0 : i32, i32
  }
  func.func @transform_7(%arg0: i32) -> (i32, i32) {
    %c0_i32 = arith.constant 0 : i32
    %c0_i32_0 = arith.constant 0 : i32
    %c0_i32_1 = arith.constant 0 : i32
    return %c0_i32, %c0_i32_0 : i32, i32
  }
  func.func @transform_8(%arg0: i32) -> (i32, i32) {
    %c0_i32 = arith.constant 0 : i32
    %c0_i32_0 = arith.constant 0 : i32
    %c0_i32_1 = arith.constant 0 : i32
    return %c0_i32, %c0_i32_0 : i32, i32
  }
}

module attributes {stable_mosaic.version = 14 : i64} {
  func.func @_pass2(%arg0: i32, %arg1: memref<16x8192xf32, #tpu.memory_space<vmem>>, %arg2: memref<16x8192xf32, #tpu.memory_space<vmem>>, %arg3: memref<16x64x8xi32, #tpu.memory_space<vmem>>, %arg4: memref<128x32xf32, #tpu.memory_space<vmem>>, %arg5: memref<16x16xf32, #tpu.memory_space<vmem>>, %arg6: memref<16x16xf32, #tpu.memory_space<vmem>>, %arg7: memref<16x16xf32, #tpu.memory_space<vmem>>, %arg8: memref<16x16xf32, #tpu.memory_space<vmem>>, %arg9: memref<16x32xf32, #tpu.memory_space<vmem>>, %arg10: memref<16x32xf32, #tpu.memory_space<vmem>>, %arg11: memref<16x16384xf32, #tpu.memory_space<vmem>>, %arg12: memref<1024x256xf32, #tpu.memory_space<vmem>>, %arg13: memref<4x128x256xf32, #tpu.memory_space<vmem>>) attributes {dimension_semantics = [#tpu.dimension_semantics<arbitrary>], iteration_bounds = array<i64: 32>, scalar_prefetch = 0 : i64, scratch_operands = 2 : i64, tpu.core_type = #tpu.core_type<tc>, window_params = [{transform_indices = @transform_0, window_bounds = array<i64: 16, 8192>}, {transform_indices = @transform_1, window_bounds = array<i64: 16, 8192>}, {transform_indices = @transform_2, window_bounds = array<i64: 16, 64, 8>}, {pipeline_mode = #tpu.pipeline_mode<synchronous>, transform_indices = @transform_3, window_bounds = array<i64: 128, 32>}, {pipeline_mode = #tpu.pipeline_mode<synchronous>, transform_indices = @transform_4, window_bounds = array<i64: 16, 16>}, {pipeline_mode = #tpu.pipeline_mode<synchronous>, transform_indices = @transform_5, window_bounds = array<i64: 16, 16>}, {pipeline_mode = #tpu.pipeline_mode<synchronous>, transform_indices = @transform_6, window_bounds = array<i64: 16, 16>}, {pipeline_mode = #tpu.pipeline_mode<synchronous>, transform_indices = @transform_7, window_bounds = array<i64: 16, 16>}, {pipeline_mode = #tpu.pipeline_mode<synchronous>, transform_indices = @transform_8, window_bounds = array<i64: 16, 32>}, {pipeline_mode = #tpu.pipeline_mode<synchronous>, transform_indices = @transform_9, window_bounds = array<i64: 16, 32>}, {transform_indices = @transform_10, window_bounds = array<i64: 16, 16384>}]} {
    %eq3A = arith.constant 0 : i32
    %eq3A_0 = arith.cmpi eq, %arg0, %eq3A : i32
    %convert_element_type3A = arith.extui %eq3A_0 : i1 to i32
    %cond3A = arith.constant 0 : i32
    %cond3A_1 = arith.cmpi ne, %convert_element_type3A, %cond3A : i32
    scf.if %cond3A_1 {
      %get3A_125 = arith.constant 0 : index
      %get3A_126 = arith.constant 0 : index
      %get3A_127 = vector.load %arg9[%get3A_125, %get3A_126] : memref<16x32xf32, #tpu.memory_space<vmem>>, vector<16x32xf32>
      %get3A_128 = arith.constant 0 : index
      %get3A_129 = arith.constant 0 : index
      %get3A_130 = vector.load %arg10[%get3A_128, %get3A_129] : memref<16x32xf32, #tpu.memory_space<vmem>>, vector<16x32xf32>
      %get3A_131 = arith.constant 0 : index
      %get3A_132 = arith.constant 0 : index
      %get3A_133 = vector.load %arg5[%get3A_131, %get3A_132] : memref<16x16xf32, #tpu.memory_space<vmem>>, vector<16x16xf32>
      %get3A_134 = arith.constant 0 : index
      %get3A_135 = arith.constant 0 : index
      %get3A_136 = vector.load %arg6[%get3A_134, %get3A_135] : memref<16x16xf32, #tpu.memory_space<vmem>>, vector<16x16xf32>
      %get3A_137 = arith.constant 0 : index
      %get3A_138 = arith.constant 0 : index
      %get3A_139 = vector.load %arg7[%get3A_137, %get3A_138] : memref<16x16xf32, #tpu.memory_space<vmem>>, vector<16x16xf32>
      %get3A_140 = arith.constant 0 : index
      %get3A_141 = arith.constant 0 : index
      %get3A_142 = vector.load %arg8[%get3A_140, %get3A_141] : memref<16x16xf32, #tpu.memory_space<vmem>>, vector<16x16xf32>
      %dot_general3A_143 = arith.constant dense<0.000000e+00> : vector<16x32xf32>
      %dot_general3A_144 = tpu.matmul %get3A_133, %get3A_127, %dot_general3A_143 {dimension_numbers = #tpu.dot_dimension_numbers<[1], [0], [0], [1], [0, 0, 1, 1], [], []>, precision = #tpu.contract_precision<fp32>, transpose_lhs_hint = false} : vector<16x16xf32>, vector<16x32xf32>, vector<16x32xf32> -> vector<16x32xf32>
      %dot_general3A_145 = arith.constant dense<0.000000e+00> : vector<16x32xf32>
      %dot_general3A_146 = tpu.matmul %get3A_136, %get3A_130, %dot_general3A_145 {dimension_numbers = #tpu.dot_dimension_numbers<[1], [0], [0], [1], [0, 0, 1, 1], [], []>, precision = #tpu.contract_precision<fp32>, transpose_lhs_hint = false} : vector<16x16xf32>, vector<16x32xf32>, vector<16x32xf32> -> vector<16x32xf32>
      %add3A_147 = arith.addf %dot_general3A_144, %dot_general3A_146 : vector<16x32xf32>
      %mul3A_148 = arith.constant 5.000000e-01 : f32
      %mul3A_149 = vector.broadcast %mul3A_148 : f32 to vector<16x32xf32>
      %mul3A_150 = arith.mulf %mul3A_149, %add3A_147 : vector<16x32xf32>
      %dot_general3A_151 = arith.constant dense<0.000000e+00> : vector<16x32xf32>
      %dot_general3A_152 = tpu.matmul %get3A_133, %get3A_130, %dot_general3A_151 {dimension_numbers = #tpu.dot_dimension_numbers<[1], [0], [0], [1], [0, 0, 1, 1], [], []>, precision = #tpu.contract_precision<fp32>, transpose_lhs_hint = false} : vector<16x16xf32>, vector<16x32xf32>, vector<16x32xf32> -> vector<16x32xf32>
      %dot_general3A_153 = arith.constant dense<0.000000e+00> : vector<16x32xf32>
      %dot_general3A_154 = tpu.matmul %get3A_136, %get3A_127, %dot_general3A_153 {dimension_numbers = #tpu.dot_dimension_numbers<[1], [0], [0], [1], [0, 0, 1, 1], [], []>, precision = #tpu.contract_precision<fp32>, transpose_lhs_hint = false} : vector<16x16xf32>, vector<16x32xf32>, vector<16x32xf32> -> vector<16x32xf32>
      %sub3A_155 = arith.subf %dot_general3A_152, %dot_general3A_154 : vector<16x32xf32>
      %mul3A_156 = arith.constant 5.000000e-01 : f32
      %mul3A_157 = vector.broadcast %mul3A_156 : f32 to vector<16x32xf32>
      %mul3A_158 = arith.mulf %mul3A_157, %sub3A_155 : vector<16x32xf32>
      %dot_general3A_159 = arith.constant dense<0.000000e+00> : vector<16x32xf32>
      %dot_general3A_160 = tpu.matmul %get3A_139, %get3A_127, %dot_general3A_159 {dimension_numbers = #tpu.dot_dimension_numbers<[1], [0], [0], [1], [0, 0, 1, 1], [], []>, precision = #tpu.contract_precision<fp32>, transpose_lhs_hint = false} : vector<16x16xf32>, vector<16x32xf32>, vector<16x32xf32> -> vector<16x32xf32>
      %dot_general3A_161 = arith.constant dense<0.000000e+00> : vector<16x32xf32>
      %dot_general3A_162 = tpu.matmul %get3A_142, %get3A_130, %dot_general3A_161 {dimension_numbers = #tpu.dot_dimension_numbers<[1], [0], [0], [1], [0, 0, 1, 1], [], []>, precision = #tpu.contract_precision<fp32>, transpose_lhs_hint = false} : vector<16x16xf32>, vector<16x32xf32>, vector<16x32xf32> -> vector<16x32xf32>
      %add3A_163 = arith.addf %dot_general3A_160, %dot_general3A_162 : vector<16x32xf32>
      %dot_general3A_164 = arith.constant dense<0.000000e+00> : vector<16x32xf32>
      %dot_general3A_165 = tpu.matmul %get3A_139, %get3A_130, %dot_general3A_164 {dimension_numbers = #tpu.dot_dimension_numbers<[1], [0], [0], [1], [0, 0, 1, 1], [], []>, precision = #tpu.contract_precision<fp32>, transpose_lhs_hint = false} : vector<16x16xf32>, vector<16x32xf32>, vector<16x32xf32> -> vector<16x32xf32>
      %dot_general3A_166 = arith.constant dense<0.000000e+00> : vector<16x32xf32>
      %dot_general3A_167 = tpu.matmul %get3A_142, %get3A_127, %dot_general3A_166 {dimension_numbers = #tpu.dot_dimension_numbers<[1], [0], [0], [1], [0, 0, 1, 1], [], []>, precision = #tpu.contract_precision<fp32>, transpose_lhs_hint = false} : vector<16x16xf32>, vector<16x32xf32>, vector<16x32xf32> -> vector<16x32xf32>
      %sub3A_168 = arith.subf %dot_general3A_165, %dot_general3A_167 : vector<16x32xf32>
      %tile3A = tpu.concatenate %mul3A_150, %mul3A_150, %mul3A_150, %mul3A_150, %mul3A_150, %mul3A_150, %mul3A_150, %mul3A_150 in 0 : vector<16x32xf32>, vector<16x32xf32>, vector<16x32xf32>, vector<16x32xf32>, vector<16x32xf32>, vector<16x32xf32>, vector<16x32xf32>, vector<16x32xf32> -> vector<128x32xf32>
      %tile3A_169 = tpu.concatenate %tile3A, %tile3A, %tile3A, %tile3A, %tile3A, %tile3A, %tile3A, %tile3A in 1 : vector<128x32xf32>, vector<128x32xf32>, vector<128x32xf32>, vector<128x32xf32>, vector<128x32xf32>, vector<128x32xf32>, vector<128x32xf32>, vector<128x32xf32> -> vector<128x256xf32>
      %iota3A_170 = tpu.iota {dimensions = array<i32: 0>} : vector<128x1xi32>
      %shift_right_arithmetic3A_171 = arith.constant 4 : i32
      %shift_right_arithmetic3A_172 = vector.broadcast %shift_right_arithmetic3A_171 : i32 to vector<128x1xi32>
      %shift_right_arithmetic3A_173 = arith.shrsi %iota3A_170, %shift_right_arithmetic3A_172 : vector<128x1xi32>
      %iota3A_174 = tpu.iota {dimensions = array<i32: 1>} : vector<1x256xi32>
      %shift_right_arithmetic3A_175 = arith.constant 5 : i32
      %shift_right_arithmetic3A_176 = vector.broadcast %shift_right_arithmetic3A_175 : i32 to vector<1x256xi32>
      %shift_right_arithmetic3A_177 = arith.shrsi %iota3A_174, %shift_right_arithmetic3A_176 : vector<1x256xi32>
      %eq3A_178 = vector.broadcast %shift_right_arithmetic3A_173 : vector<128x1xi32> to vector<128x256xi32>
      %eq3A_179 = vector.broadcast %shift_right_arithmetic3A_177 : vector<1x256xi32> to vector<128x256xi32>
      %eq3A_180 = arith.cmpi eq, %eq3A_178, %eq3A_179 : vector<128x256xi32>
      %convert_element_type3A_181 = arith.extui %eq3A_180 : vector<128x256xi1> to vector<128x256xi32>
      %convert_element_type3A_182 = arith.sitofp %convert_element_type3A_181 : vector<128x256xi32> to vector<128x256xf32>
      %mul3A_183 = arith.mulf %tile3A_169, %convert_element_type3A_182 : vector<128x256xf32>
      %swap3A_184 = arith.constant 0 : index
      %swap3A_185 = arith.constant 0 : index
      %swap3A_186 = arith.constant 0 : index
      %swap3A_187 = vector.load %arg13[%swap3A_184, %swap3A_185, %swap3A_186] : memref<4x128x256xf32, #tpu.memory_space<vmem>>, vector<1x128x256xf32>
      %swap3A_188 = vector.shape_cast %swap3A_187 : vector<1x128x256xf32> to vector<128x256xf32>
      %swap3A_189 = vector.shape_cast %mul3A_183 : vector<128x256xf32> to vector<1x128x256xf32>
      tpu.vector_store %arg13[%swap3A_184, %swap3A_185, %swap3A_186], %swap3A_189 {strides = array<i32>} : memref<4x128x256xf32, #tpu.memory_space<vmem>>, vector<1x128x256xf32>,
      %tile3A_190 = tpu.concatenate %mul3A_158, %mul3A_158, %mul3A_158, %mul3A_158, %mul3A_158, %mul3A_158, %mul3A_158, %mul3A_158 in 0 : vector<16x32xf32>, vector<16x32xf32>, vector<16x32xf32>, vector<16x32xf32>, vector<16x32xf32>, vector<16x32xf32>, vector<16x32xf32>, vector<16x32xf32> -> vector<128x32xf32>
      %tile3A_191 = tpu.concatenate %tile3A_190, %tile3A_190, %tile3A_190, %tile3A_190, %tile3A_190, %tile3A_190, %tile3A_190, %tile3A_190 in 1 : vector<128x32xf32>, vector<128x32xf32>, vector<128x32xf32>, vector<128x32xf32>, vector<128x32xf32>, vector<128x32xf32>, vector<128x32xf32>, vector<128x32xf32> -> vector<128x256xf32>
      %iota3A_192 = tpu.iota {dimensions = array<i32: 0>} : vector<128x1xi32>
      %shift_right_arithmetic3A_193 = arith.constant 4 : i32
      %shift_right_arithmetic3A_194 = vector.broadcast %shift_right_arithmetic3A_193 : i32 to vector<128x1xi32>
      %shift_right_arithmetic3A_195 = arith.shrsi %iota3A_192, %shift_right_arithmetic3A_194 : vector<128x1xi32>
      %iota3A_196 = tpu.iota {dimensions = array<i32: 1>} : vector<1x256xi32>
      %shift_right_arithmetic3A_197 = arith.constant 5 : i32
      %shift_right_arithmetic3A_198 = vector.broadcast %shift_right_arithmetic3A_197 : i32 to vector<1x256xi32>
      %shift_right_arithmetic3A_199 = arith.shrsi %iota3A_196, %shift_right_arithmetic3A_198 : vector<1x256xi32>
      %eq3A_200 = vector.broadcast %shift_right_arithmetic3A_195 : vector<128x1xi32> to vector<128x256xi32>
      %eq3A_201 = vector.broadcast %shift_right_arithmetic3A_199 : vector<1x256xi32> to vector<128x256xi32>
      %eq3A_202 = arith.cmpi eq, %eq3A_200, %eq3A_201 : vector<128x256xi32>
      %convert_element_type3A_203 = arith.extui %eq3A_202 : vector<128x256xi1> to vector<128x256xi32>
      %convert_element_type3A_204 = arith.sitofp %convert_element_type3A_203 : vector<128x256xi32> to vector<128x256xf32>
      %mul3A_205 = arith.mulf %tile3A_191, %convert_element_type3A_204 : vector<128x256xf32>
      %swap3A_206 = arith.constant 1 : index
      %swap3A_207 = arith.constant 0 : index
      %swap3A_208 = arith.constant 0 : index
      %swap3A_209 = vector.load %arg13[%swap3A_206, %swap3A_207, %swap3A_208] : memref<4x128x256xf32, #tpu.memory_space<vmem>>, vector<1x128x256xf32>
      %swap3A_210 = vector.shape_cast %swap3A_209 : vector<1x128x256xf32> to vector<128x256xf32>
      %swap3A_211 = vector.shape_cast %mul3A_205 : vector<128x256xf32> to vector<1x128x256xf32>
      tpu.vector_store %arg13[%swap3A_206, %swap3A_207, %swap3A_208], %swap3A_211 {strides = array<i32>} : memref<4x128x256xf32, #tpu.memory_space<vmem>>, vector<1x128x256xf32>,
      %tile3A_212 = tpu.concatenate %add3A_163, %add3A_163, %add3A_163, %add3A_163, %add3A_163, %add3A_163, %add3A_163, %add3A_163 in 0 : vector<16x32xf32>, vector<16x32xf32>, vector<16x32xf32>, vector<16x32xf32>, vector<16x32xf32>, vector<16x32xf32>, vector<16x32xf32>, vector<16x32xf32> -> vector<128x32xf32>
      %tile3A_213 = tpu.concatenate %tile3A_212, %tile3A_212, %tile3A_212, %tile3A_212, %tile3A_212, %tile3A_212, %tile3A_212, %tile3A_212 in 1 : vector<128x32xf32>, vector<128x32xf32>, vector<128x32xf32>, vector<128x32xf32>, vector<128x32xf32>, vector<128x32xf32>, vector<128x32xf32>, vector<128x32xf32> -> vector<128x256xf32>
      %iota3A_214 = tpu.iota {dimensions = array<i32: 0>} : vector<128x1xi32>
      %shift_right_arithmetic3A_215 = arith.constant 4 : i32
      %shift_right_arithmetic3A_216 = vector.broadcast %shift_right_arithmetic3A_215 : i32 to vector<128x1xi32>
      %shift_right_arithmetic3A_217 = arith.shrsi %iota3A_214, %shift_right_arithmetic3A_216 : vector<128x1xi32>
      %iota3A_218 = tpu.iota {dimensions = array<i32: 1>} : vector<1x256xi32>
      %shift_right_arithmetic3A_219 = arith.constant 5 : i32
      %shift_right_arithmetic3A_220 = vector.broadcast %shift_right_arithmetic3A_219 : i32 to vector<1x256xi32>
      %shift_right_arithmetic3A_221 = arith.shrsi %iota3A_218, %shift_right_arithmetic3A_220 : vector<1x256xi32>
      %eq3A_222 = vector.broadcast %shift_right_arithmetic3A_217 : vector<128x1xi32> to vector<128x256xi32>
      %eq3A_223 = vector.broadcast %shift_right_arithmetic3A_221 : vector<1x256xi32> to vector<128x256xi32>
      %eq3A_224 = arith.cmpi eq, %eq3A_222, %eq3A_223 : vector<128x256xi32>
      %convert_element_type3A_225 = arith.extui %eq3A_224 : vector<128x256xi1> to vector<128x256xi32>
      %convert_element_type3A_226 = arith.sitofp %convert_element_type3A_225 : vector<128x256xi32> to vector<128x256xf32>
      %mul3A_227 = arith.mulf %tile3A_213, %convert_element_type3A_226 : vector<128x256xf32>
      %swap3A_228 = arith.constant 2 : index
      %swap3A_229 = arith.constant 0 : index
      %swap3A_230 = arith.constant 0 : index
      %swap3A_231 = vector.load %arg13[%swap3A_228, %swap3A_229, %swap3A_230] : memref<4x128x256xf32, #tpu.memory_space<vmem>>, vector<1x128x256xf32>
      %swap3A_232 = vector.shape_cast %swap3A_231 : vector<1x128x256xf32> to vector<128x256xf32>
      %swap3A_233 = vector.shape_cast %mul3A_227 : vector<128x256xf32> to vector<1x128x256xf32>
      tpu.vector_store %arg13[%swap3A_228, %swap3A_229, %swap3A_230], %swap3A_233 {strides = array<i32>} : memref<4x128x256xf32, #tpu.memory_space<vmem>>, vector<1x128x256xf32>,
      %tile3A_234 = tpu.concatenate %sub3A_168, %sub3A_168, %sub3A_168, %sub3A_168, %sub3A_168, %sub3A_168, %sub3A_168, %sub3A_168 in 0 : vector<16x32xf32>, vector<16x32xf32>, vector<16x32xf32>, vector<16x32xf32>, vector<16x32xf32>, vector<16x32xf32>, vector<16x32xf32>, vector<16x32xf32> -> vector<128x32xf32>
      %tile3A_235 = tpu.concatenate %tile3A_234, %tile3A_234, %tile3A_234, %tile3A_234, %tile3A_234, %tile3A_234, %tile3A_234, %tile3A_234 in 1 : vector<128x32xf32>, vector<128x32xf32>, vector<128x32xf32>, vector<128x32xf32>, vector<128x32xf32>, vector<128x32xf32>, vector<128x32xf32>, vector<128x32xf32> -> vector<128x256xf32>
      %iota3A_236 = tpu.iota {dimensions = array<i32: 0>} : vector<128x1xi32>
      %shift_right_arithmetic3A_237 = arith.constant 4 : i32
      %shift_right_arithmetic3A_238 = vector.broadcast %shift_right_arithmetic3A_237 : i32 to vector<128x1xi32>
      %shift_right_arithmetic3A_239 = arith.shrsi %iota3A_236, %shift_right_arithmetic3A_238 : vector<128x1xi32>
      %iota3A_240 = tpu.iota {dimensions = array<i32: 1>} : vector<1x256xi32>
      %shift_right_arithmetic3A_241 = arith.constant 5 : i32
      %shift_right_arithmetic3A_242 = vector.broadcast %shift_right_arithmetic3A_241 : i32 to vector<1x256xi32>
      %shift_right_arithmetic3A_243 = arith.shrsi %iota3A_240, %shift_right_arithmetic3A_242 : vector<1x256xi32>
      %eq3A_244 = vector.broadcast %shift_right_arithmetic3A_239 : vector<128x1xi32> to vector<128x256xi32>
      %eq3A_245 = vector.broadcast %shift_right_arithmetic3A_243 : vector<1x256xi32> to vector<128x256xi32>
      %eq3A_246 = arith.cmpi eq, %eq3A_244, %eq3A_245 : vector<128x256xi32>
      %convert_element_type3A_247 = arith.extui %eq3A_246 : vector<128x256xi1> to vector<128x256xi32>
      %convert_element_type3A_248 = arith.sitofp %convert_element_type3A_247 : vector<128x256xi32> to vector<128x256xf32>
      %mul3A_249 = arith.mulf %tile3A_235, %convert_element_type3A_248 : vector<128x256xf32>
      %swap3A_250 = arith.constant 3 : index
      %swap3A_251 = arith.constant 0 : index
      %swap3A_252 = arith.constant 0 : index
      %swap3A_253 = vector.load %arg13[%swap3A_250, %swap3A_251, %swap3A_252] : memref<4x128x256xf32, #tpu.memory_space<vmem>>, vector<1x128x256xf32>
      %swap3A_254 = vector.shape_cast %swap3A_253 : vector<1x128x256xf32> to vector<128x256xf32>
      %swap3A_255 = vector.shape_cast %mul3A_249 : vector<128x256xf32> to vector<1x128x256xf32>
      tpu.vector_store %arg13[%swap3A_250, %swap3A_251, %swap3A_252], %swap3A_255 {strides = array<i32>} : memref<4x128x256xf32, #tpu.memory_space<vmem>>, vector<1x128x256xf32>,
      %get3A_256 = arith.constant 0 : index
      %get3A_257 = arith.constant 0 : index
      %get3A_258 = vector.load %arg4[%get3A_256, %get3A_257] : memref<128x32xf32, #tpu.memory_space<vmem>>, vector<128x32xf32>
      %tile3A_259 = tpu.concatenate %get3A_258, %get3A_258, %get3A_258, %get3A_258, %get3A_258, %get3A_258, %get3A_258, %get3A_258 in 0 : vector<128x32xf32>, vector<128x32xf32>, vector<128x32xf32>, vector<128x32xf32>, vector<128x32xf32>, vector<128x32xf32>, vector<128x32xf32>, vector<128x32xf32> -> vector<1024x32xf32>
      %tile3A_260 = tpu.concatenate %tile3A_259, %tile3A_259, %tile3A_259, %tile3A_259, %tile3A_259, %tile3A_259, %tile3A_259, %tile3A_259 in 1 : vector<1024x32xf32>, vector<1024x32xf32>, vector<1024x32xf32>, vector<1024x32xf32>, vector<1024x32xf32>, vector<1024x32xf32>, vector<1024x32xf32>, vector<1024x32xf32> -> vector<1024x256xf32>
      %iota3A_261 = tpu.iota {dimensions = array<i32: 0>} : vector<1024x1xi32>
      %shift_right_arithmetic3A_262 = arith.constant 7 : i32
      %shift_right_arithmetic3A_263 = vector.broadcast %shift_right_arithmetic3A_262 : i32 to vector<1024x1xi32>
      %shift_right_arithmetic3A_264 = arith.shrsi %iota3A_261, %shift_right_arithmetic3A_263 : vector<1024x1xi32>
      %iota3A_265 = tpu.iota {dimensions = array<i32: 1>} : vector<1x256xi32>
      %shift_right_arithmetic3A_266 = arith.constant 5 : i32
      %shift_right_arithmetic3A_267 = vector.broadcast %shift_right_arithmetic3A_266 : i32 to vector<1x256xi32>
      %shift_right_arithmetic3A_268 = arith.shrsi %iota3A_265, %shift_right_arithmetic3A_267 : vector<1x256xi32>
      %eq3A_269 = vector.broadcast %shift_right_arithmetic3A_264 : vector<1024x1xi32> to vector<1024x256xi32>
      %eq3A_270 = vector.broadcast %shift_right_arithmetic3A_268 : vector<1x256xi32> to vector<1024x256xi32>
      %eq3A_271 = arith.cmpi eq, %eq3A_269, %eq3A_270 : vector<1024x256xi32>
      %convert_element_type3A_272 = arith.extui %eq3A_271 : vector<1024x256xi1> to vector<1024x256xi32>
      %convert_element_type3A_273 = arith.sitofp %convert_element_type3A_272 : vector<1024x256xi32> to vector<1024x256xf32>
      %mul3A_274 = arith.mulf %tile3A_260, %convert_element_type3A_273 : vector<1024x256xf32>
      %swap3A_275 = arith.constant 0 : index
      %swap3A_276 = arith.constant 0 : index
      %swap3A_277 = vector.load %arg12[%swap3A_275, %swap3A_276] : memref<1024x256xf32, #tpu.memory_space<vmem>>, vector<1024x256xf32>
      tpu.vector_store %arg12[%swap3A_275, %swap3A_276], %mul3A_274 {strides = array<i32>} : memref<1024x256xf32, #tpu.memory_space<vmem>>, vector<1024x256xf32>,
    } else {
    }
    %get3A = arith.constant 0 : index
    %get3A_2 = arith.constant 0 : index
    %get3A_3 = vector.load %arg1[%get3A, %get3A_2] : memref<16x8192xf32, #tpu.memory_space<vmem>>, vector<16x8192xf32>
    %reshape3A = vector.shape_cast %get3A_3 : vector<16x8192xf32> to vector<1024x128xf32>
    %get3A_4 = arith.constant 0 : index
    %get3A_5 = arith.constant 0 : index
    %get3A_6 = vector.load %arg2[%get3A_4, %get3A_5] : memref<16x8192xf32, #tpu.memory_space<vmem>>, vector<16x8192xf32>
    %reshape3A_7 = vector.shape_cast %get3A_6 : vector<16x8192xf32> to vector<1024x128xf32>
    %get3A_8 = arith.constant 0 : index
    %get3A_9 = arith.constant 0 : index
    %get3A_10 = arith.constant 0 : index
    %get3A_11 = vector.load %arg13[%get3A_8, %get3A_9, %get3A_10] : memref<4x128x256xf32, #tpu.memory_space<vmem>>, vector<1x128x256xf32>
    %get3A_12 = vector.shape_cast %get3A_11 : vector<1x128x256xf32> to vector<128x256xf32>
    %dot_general3A = arith.constant dense<0.000000e+00> : vector<1024x256xf32>
    %dot_general3A_13 = tpu.matmul %reshape3A, %get3A_12, %dot_general3A {dimension_numbers = #tpu.dot_dimension_numbers<[1], [0], [0], [1], [0, 0, 1, 1], [], []>, transpose_lhs_hint = false} : vector<1024x128xf32>, vector<128x256xf32>, vector<1024x256xf32> -> vector<1024x256xf32>
    %get3A_14 = arith.constant 1 : index
    %get3A_15 = arith.constant 0 : index
    %get3A_16 = arith.constant 0 : index
    %get3A_17 = vector.load %arg13[%get3A_14, %get3A_15, %get3A_16] : memref<4x128x256xf32, #tpu.memory_space<vmem>>, vector<1x128x256xf32>
    %get3A_18 = vector.shape_cast %get3A_17 : vector<1x128x256xf32> to vector<128x256xf32>
    %dot_general3A_19 = arith.constant dense<0.000000e+00> : vector<1024x256xf32>
    %dot_general3A_20 = tpu.matmul %reshape3A_7, %get3A_18, %dot_general3A_19 {dimension_numbers = #tpu.dot_dimension_numbers<[1], [0], [0], [1], [0, 0, 1, 1], [], []>, transpose_lhs_hint = false} : vector<1024x128xf32>, vector<128x256xf32>, vector<1024x256xf32> -> vector<1024x256xf32>
    %add3A = arith.addf %dot_general3A_13, %dot_general3A_20 : vector<1024x256xf32>
    %get3A_21 = arith.constant 2 : index
    %get3A_22 = arith.constant 0 : index
    %get3A_23 = arith.constant 0 : index
    %get3A_24 = vector.load %arg13[%get3A_21, %get3A_22, %get3A_23] : memref<4x128x256xf32, #tpu.memory_space<vmem>>, vector<1x128x256xf32>
    %get3A_25 = vector.shape_cast %get3A_24 : vector<1x128x256xf32> to vector<128x256xf32>
    %dot_general3A_26 = arith.constant dense<0.000000e+00> : vector<1024x256xf32>
    %dot_general3A_27 = tpu.matmul %reshape3A, %get3A_25, %dot_general3A_26 {dimension_numbers = #tpu.dot_dimension_numbers<[1], [0], [0], [1], [0, 0, 1, 1], [], []>, transpose_lhs_hint = false} : vector<1024x128xf32>, vector<128x256xf32>, vector<1024x256xf32> -> vector<1024x256xf32>
    %get3A_28 = arith.constant 3 : index
    %get3A_29 = arith.constant 0 : index
    %get3A_30 = arith.constant 0 : index
    %get3A_31 = vector.load %arg13[%get3A_28, %get3A_29, %get3A_30] : memref<4x128x256xf32, #tpu.memory_space<vmem>>, vector<1x128x256xf32>
    %get3A_32 = vector.shape_cast %get3A_31 : vector<1x128x256xf32> to vector<128x256xf32>
    %dot_general3A_33 = arith.constant dense<0.000000e+00> : vector<1024x256xf32>
    %dot_general3A_34 = tpu.matmul %reshape3A_7, %get3A_32, %dot_general3A_33 {dimension_numbers = #tpu.dot_dimension_numbers<[1], [0], [0], [1], [0, 0, 1, 1], [], []>, transpose_lhs_hint = false} : vector<1024x128xf32>, vector<128x256xf32>, vector<1024x256xf32> -> vector<1024x256xf32>
    %add3A_35 = arith.addf %dot_general3A_27, %dot_general3A_34 : vector<1024x256xf32>
    %mul3A = arith.constant 16 : i32
    %mul3A_36 = arith.muli %arg0, %mul3A : i32
    %iota3A = tpu.iota {dimensions = array<i32: 0>} : vector<1024x1xi32>
    %shift_right_arithmetic3A = arith.constant 6 : i32
    %shift_right_arithmetic3A_37 = vector.broadcast %shift_right_arithmetic3A : i32 to vector<1024x1xi32>
    %shift_right_arithmetic3A_38 = arith.shrsi %iota3A, %shift_right_arithmetic3A_37 : vector<1024x1xi32>
    %sub3A = arith.constant 256 : i32
    %sub3A_39 = arith.subi %mul3A_36, %sub3A : i32
    %add3A_40 = vector.broadcast %sub3A_39 : i32 to vector<1024x1xi32>
    %add3A_41 = arith.addi %shift_right_arithmetic3A_38, %add3A_40 : vector<1024x1xi32>
    %and3A = arith.constant 63 : i32
    %and3A_42 = vector.broadcast %and3A : i32 to vector<1024x1xi32>
    %and3A_43 = arith.andi %iota3A, %and3A_42 : vector<1024x1xi32>
    %shift_left3A = arith.constant 3 : i32
    %shift_left3A_44 = vector.broadcast %shift_left3A : i32 to vector<1024x1xi32>
    %shift_left3A_45 = arith.shli %and3A_43, %shift_left3A_44 : vector<1024x1xi32>
    %sub3A_46 = arith.constant 256 : i32
    %sub3A_47 = vector.broadcast %sub3A_46 : i32 to vector<1024x1xi32>
    %sub3A_48 = arith.subi %shift_left3A_45, %sub3A_47 : vector<1024x1xi32>
    %iota3A_49 = tpu.iota {dimensions = array<i32: 1>} : vector<1x1024xi32>
    %shift_right_arithmetic3A_50 = arith.constant 7 : i32
    %shift_right_arithmetic3A_51 = vector.broadcast %shift_right_arithmetic3A_50 : i32 to vector<1x1024xi32>
    %shift_right_arithmetic3A_52 = arith.shrsi %iota3A_49, %shift_right_arithmetic3A_51 : vector<1x1024xi32>
    %and3A_53 = arith.constant 127 : i32
    %and3A_54 = vector.broadcast %and3A_53 : i32 to vector<1x1024xi32>
    %and3A_55 = arith.andi %iota3A_49, %and3A_54 : vector<1x1024xi32>
    %add3A_56 = vector.broadcast %sub3A_48 : vector<1024x1xi32> to vector<1024x1024xi32>
    %add3A_57 = vector.broadcast %shift_right_arithmetic3A_52 : vector<1x1024xi32> to vector<1024x1024xi32>
    %add3A_58 = arith.addi %add3A_56, %add3A_57 : vector<1024x1024xi32>
    %mul3A_59 = arith.muli %add3A_41, %add3A_41 : vector<1024x1xi32>
    %mul3A_60 = arith.muli %add3A_58, %add3A_58 : vector<1024x1024xi32>
    %add3A_61 = vector.broadcast %mul3A_59 : vector<1024x1xi32> to vector<1024x1024xi32>
    %add3A_62 = arith.addi %add3A_61, %mul3A_60 : vector<1024x1024xi32>
    %mul3A_63 = arith.constant 16 : i32
    %mul3A_64 = vector.broadcast %mul3A_63 : i32 to vector<1x1024xi32>
    %mul3A_65 = arith.muli %mul3A_64, %and3A_55 : vector<1x1024xi32>
    %mul3A_66 = arith.muli %mul3A_65, %and3A_55 : vector<1x1024xi32>
    %add3A_67 = arith.constant 1 : i32
    %add3A_68 = vector.broadcast %add3A_67 : i32 to vector<1x1024xi32>
    %add3A_69 = arith.addi %and3A_55, %add3A_68 : vector<1x1024xi32>
    %mul3A_70 = arith.constant 16 : i32
    %mul3A_71 = vector.broadcast %mul3A_70 : i32 to vector<1x1024xi32>
    %mul3A_72 = arith.muli %mul3A_71, %add3A_69 : vector<1x1024xi32>
    %add3A_73 = arith.constant 1 : i32
    %add3A_74 = vector.broadcast %add3A_73 : i32 to vector<1x1024xi32>
    %add3A_75 = arith.addi %and3A_55, %add3A_74 : vector<1x1024xi32>
    %mul3A_76 = arith.muli %mul3A_72, %add3A_75 : vector<1x1024xi32>
    %ge3A = vector.broadcast %mul3A_66 : vector<1x1024xi32> to vector<1024x1024xi32>
    %ge3A_77 = arith.cmpi sge, %add3A_62, %ge3A : vector<1024x1024xi32>
    %lt3A = vector.broadcast %mul3A_76 : vector<1x1024xi32> to vector<1024x1024xi32>
    %lt3A_78 = arith.cmpi slt, %add3A_62, %lt3A : vector<1024x1024xi32>
    %and3A_79 = arith.andi %ge3A_77, %lt3A_78 : vector<1024x1024xi1>
    %convert_element_type3A_80 = arith.extui %and3A_79 : vector<1024x1024xi1> to vector<1024x1024xi32>
    %convert_element_type3A_81 = arith.sitofp %convert_element_type3A_80 : vector<1024x1024xi32> to vector<1024x1024xf32>
    %get3A_82 = arith.constant 0 : index
    %get3A_83 = arith.constant 0 : index
    %get3A_84 = vector.load %arg12[%get3A_82, %get3A_83] : memref<1024x256xf32, #tpu.memory_space<vmem>>, vector<1024x256xf32>
    %dot_general3A_85 = arith.constant dense<0.000000e+00> : vector<1024x256xf32>
    %dot_general3A_86 = tpu.matmul %convert_element_type3A_81, %get3A_84, %dot_general3A_85 {dimension_numbers = #tpu.dot_dimension_numbers<[1], [0], [0], [1], [0, 0, 1, 1], [], []>, transpose_lhs_hint = false} : vector<1024x1024xf32>, vector<1024x256xf32>, vector<1024x256xf32> -> vector<1024x256xf32>
    %get3A_87 = arith.constant 0 : index
    %get3A_88 = arith.constant 0 : index
    %get3A_89 = arith.constant 0 : index
    %get3A_90 = vector.load %arg3[%get3A_87, %get3A_88, %get3A_89] : memref<16x64x8xi32, #tpu.memory_space<vmem>>, vector<16x64x8xi32>
    %reshape3A_91 = vector.shape_cast %get3A_90 : vector<16x64x8xi32> to vector<1024x8xi32>
    %convert_element_type3A_92 = arith.sitofp %reshape3A_91 : vector<1024x8xi32> to vector<1024x8xf32>
    %iota3A_93 = tpu.iota {dimensions = array<i32: 0>} : vector<8x1xi32>
    %shift_right_arithmetic3A_94 = arith.constant 0 : i32
    %shift_right_arithmetic3A_95 = vector.broadcast %shift_right_arithmetic3A_94 : i32 to vector<8x1xi32>
    %shift_right_arithmetic3A_96 = arith.shrsi %iota3A_93, %shift_right_arithmetic3A_95 : vector<8x1xi32>
    %iota3A_97 = tpu.iota {dimensions = array<i32: 1>} : vector<1x256xi32>
    %shift_right_arithmetic3A_98 = arith.constant 5 : i32
    %shift_right_arithmetic3A_99 = vector.broadcast %shift_right_arithmetic3A_98 : i32 to vector<1x256xi32>
    %shift_right_arithmetic3A_100 = arith.shrsi %iota3A_97, %shift_right_arithmetic3A_99 : vector<1x256xi32>
    %eq3A_101 = vector.broadcast %shift_right_arithmetic3A_96 : vector<8x1xi32> to vector<8x256xi32>
    %eq3A_102 = vector.broadcast %shift_right_arithmetic3A_100 : vector<1x256xi32> to vector<8x256xi32>
    %eq3A_103 = arith.cmpi eq, %eq3A_101, %eq3A_102 : vector<8x256xi32>
    %convert_element_type3A_104 = arith.extui %eq3A_103 : vector<8x256xi1> to vector<8x256xi32>
    %convert_element_type3A_105 = arith.sitofp %convert_element_type3A_104 : vector<8x256xi32> to vector<8x256xf32>
    %dot_general3A_106 = arith.constant dense<0.000000e+00> : vector<1024x256xf32>
    %dot_general3A_107 = tpu.matmul %convert_element_type3A_92, %convert_element_type3A_105, %dot_general3A_106 {dimension_numbers = #tpu.dot_dimension_numbers<[1], [0], [0], [1], [0, 0, 1, 1], [], []>, transpose_lhs_hint = false} : vector<1024x8xf32>, vector<8x256xf32>, vector<1024x256xf32> -> vector<1024x256xf32>
    %sub3A_108 = arith.constant 1.000000e+00 : f32
    %sub3A_109 = vector.broadcast %sub3A_108 : f32 to vector<1024x256xf32>
    %sub3A_110 = arith.subf %sub3A_109, %dot_general3A_107 : vector<1024x256xf32>
    %mul3A_111 = arith.mulf %sub3A_110, %add3A : vector<1024x256xf32>
    %mul3A_112 = arith.mulf %dot_general3A_107, %add3A_35 : vector<1024x256xf32>
    %add3A_113 = arith.addf %mul3A_111, %mul3A_112 : vector<1024x256xf32>
    %mul3A_114 = arith.constant 1.500000e+00 : f32
    %mul3A_115 = vector.broadcast %mul3A_114 : f32 to vector<1024x256xf32>
    %mul3A_116 = arith.mulf %mul3A_115, %dot_general3A_107 : vector<1024x256xf32>
    %sub3A_117 = arith.constant 5.000000e-01 : f32
    %sub3A_118 = vector.broadcast %sub3A_117 : f32 to vector<1024x256xf32>
    %sub3A_119 = arith.subf %sub3A_118, %mul3A_116 : vector<1024x256xf32>
    %mul3A_120 = arith.mulf %sub3A_119, %dot_general3A_86 : vector<1024x256xf32>
    %add3A_121 = arith.addf %add3A_113, %mul3A_120 : vector<1024x256xf32>
    %reshape3A_122 = vector.shape_cast %add3A_121 : vector<1024x256xf32> to vector<16x16384xf32>
    %swap3A = arith.constant 0 : index
    %swap3A_123 = arith.constant 0 : index
    %swap3A_124 = vector.load %arg11[%swap3A, %swap3A_123] : memref<16x16384xf32, #tpu.memory_space<vmem>>, vector<16x16384xf32>
    tpu.vector_store %arg11[%swap3A, %swap3A_123], %reshape3A_122 {strides = array<i32>} : memref<16x16384xf32, #tpu.memory_space<vmem>>, vector<16x16384xf32>,
    return
  }
  func.func @transform_0(%arg0: i32) -> (i32, i32) {
    %c0_i32 = arith.constant 0 : i32
    %c0_i32_0 = arith.constant 0 : i32
    return %arg0, %c0_i32 : i32, i32
  }
  func.func @transform_1(%arg0: i32) -> (i32, i32) {
    %c0_i32 = arith.constant 0 : i32
    %c0_i32_0 = arith.constant 0 : i32
    return %arg0, %c0_i32 : i32, i32
  }
  func.func @transform_2(%arg0: i32) -> (i32, i32, i32) {
    %c0_i32 = arith.constant 0 : i32
    %c0_i32_0 = arith.constant 0 : i32
    %c0_i32_1 = arith.constant 0 : i32
    return %arg0, %c0_i32, %c0_i32_0 : i32, i32, i32
  }
  func.func @transform_3(%arg0: i32) -> (i32, i32) {
    %c0_i32 = arith.constant 0 : i32
    %c0_i32_0 = arith.constant 0 : i32
    %c0_i32_1 = arith.constant 0 : i32
    return %c0_i32, %c0_i32_0 : i32, i32
  }
  func.func @transform_4(%arg0: i32) -> (i32, i32) {
    %c0_i32 = arith.constant 0 : i32
    %c0_i32_0 = arith.constant 0 : i32
    %c0_i32_1 = arith.constant 0 : i32
    return %c0_i32, %c0_i32_0 : i32, i32
  }
  func.func @transform_5(%arg0: i32) -> (i32, i32) {
    %c0_i32 = arith.constant 0 : i32
    %c0_i32_0 = arith.constant 0 : i32
    %c0_i32_1 = arith.constant 0 : i32
    return %c0_i32, %c0_i32_0 : i32, i32
  }
  func.func @transform_6(%arg0: i32) -> (i32, i32) {
    %c0_i32 = arith.constant 0 : i32
    %c0_i32_0 = arith.constant 0 : i32
    %c0_i32_1 = arith.constant 0 : i32
    return %c0_i32, %c0_i32_0 : i32, i32
  }
  func.func @transform_7(%arg0: i32) -> (i32, i32) {
    %c0_i32 = arith.constant 0 : i32
    %c0_i32_0 = arith.constant 0 : i32
    %c0_i32_1 = arith.constant 0 : i32
    return %c0_i32, %c0_i32_0 : i32, i32
  }
  func.func @transform_8(%arg0: i32) -> (i32, i32) {
    %c0_i32 = arith.constant 0 : i32
    %c0_i32_0 = arith.constant 0 : i32
    %c0_i32_1 = arith.constant 0 : i32
    return %c0_i32, %c0_i32_0 : i32, i32
  }
  func.func @transform_9(%arg0: i32) -> (i32, i32) {
    %c0_i32 = arith.constant 0 : i32
    %c0_i32_0 = arith.constant 0 : i32
    %c0_i32_1 = arith.constant 0 : i32
    return %c0_i32, %c0_i32_0 : i32, i32
  }
  func.func @transform_10(%arg0: i32) -> (i32, i32) {
    %c0_i32 = arith.constant 0 : i32
    %c0_i32_0 = arith.constant 0 : i32
    return %arg0, %c0_i32 : i32, i32
  }
}

</mosaic_0001>

<sc_bundles>
// kernel: sparse-core-data-format-call.cloned.1.call-start
scs
called_computation_lowered:
.L_overlay_start_0:
0x0: {  	s2 =	sld [smem:$0x3FD9]  }
0x1: {  	s3 =	sld [smem:$0x3FFE];
	_ =	sdelay $0x1  }
0x2: {  	s1 =	srdreg.scid  }
0x3: {  	s0 =	sand.u32 $0x1, s1  }
0x4: {  	s18 =	sshll.u32 s0, $0xA;
	s2 =	sadd.s32 s3, s2  }
0x5: {  	s2 =	sadd.s32 s2, s18  }
0x6: {  	[smem:$0x3FC1] =	sst s2  }
0x7: {  	_ = 	snop  }
0x8: {  	s2 =	sld [smem:$0x3FD0];
	(tm) =	ssettm $0x1  }
0x9: {  	s19 =	sld [smem:$0x3FFB];
	_ =	sdelay $0x3  }
0xa: {  	_ =	strace s19  }
0xb: {  	s3 =	sld [smem:$0x3FFC];
	_ =	sdelay $0x3  }
0xc: {  	_ =	strace s3  }
0xd: {  	s3 =	sld [smem:$0x3FFD];
	_ =	sdelay $0x3  }
0xe: {  	_ =	strace s3  }
0xf: {  	_ =	strace $0x8FFFFFFF  }
0x10: {  	s20 =	sld [smem:$0x3FDB];
	_ =	sdelay $0x1  }
0x11: {  	s4 =	simm.s32 $_scs_section_size  }
0x12: {  	s5 =	simm.s32 $_size__tile_overlayer_lowered;
	s6 =	simm.s32 $_tile_overlayer_lowered  }
0x13: {  	s23 =	simm.s32 $0x1BFF;
	s22 =	sshll.u32 s6, $0x1;
	s3 =	sadd.s32 s4, s20  }
0x14: {  	s7 =	simm.s32 $0x0;
	s21 =	sshll.u32 s5, $0x1;
	s5 =	sadd.s32 s22, s3  }
0x15: {  	[timem:s7], [sflag:s23] =	dma.local [hbm:s5], s21  }
0x16: {  	_ =	swait.ge [sflag:s23], s21  }
0x17: {  	s4 =	ssub.s32 $0x0, s21;
	[sflag:s23] =	ssyncset.done $0x0  }
0x18: {  	[sflag:s23] =	ssyncadd.s32 s4;
	_ =	sdelay $0x1  }
0x19: {  	s24 =	simm.s32 $0x1B8B  }
0x1a: {  	_ =	swait.ge [sflag:s24], $0x1  }
0x1b: {  	[sflag:s24] =	ssyncset.done $0x0  }
0x1c: {  	s26 =	simm.s32 $0x1B8E;
	s25 =	sld [smem:$0x3FFE];
	[sflag:s24] =	ssyncadd.s32 $0xFFFFFFFF  }
0x1d: {  	s27 =	simm.s32 $execute0_lowered;
	[smem:$0x3FD2] =	sst s26  }
0x1e: {  	s5 =	sshll.u32 s27, $0x1;
	_ =	strace $0x80000046;
	[dreg:$0x1] =	wrdreg $0xFFFFFFFF  }
0x1f: {  	s28 =	simm.s32 $_size_execute0_lowered;
	s3 =	sadd.s32 s3, s5;
	[dreg:$0x0] =	wrdreg $0x0  }
0x20: {  	s5 =	sshll.u32 s28, $0x1;
	[dreg:$0x2] =	wrdreg s3  }
0x21: {  	[dreg:$0x3] =	wrdreg s5  }
0x22: {  	[dreg:$0x4] =	wrdreg $0xC0  }
0x23: {  	_ =	task [dreg:s7], $0x5FFFF  }
0x24: {  	[dreg:$0x1] =	wrdreg $0xFFFFFFFF  }
0x25: {  	[dreg:$0x0] =	wrdreg $0x60  }
0x26: {  	[dreg:$0x2] =	wrdreg s25  }
0x27: {  	[dreg:$0x3] =	wrdreg s2  }
0x28: {  	[dreg:$0x4] =	wrdreg $0x9  }
0x29: {  	_ =	task.clear_ibuf [dreg:s7], $0x5FFFF;
	_ =	strace $0x90000046  }
0x2a: {  	s29 =	simm.s32 $0x9;
	_ =	strace $0x80000048  }
0x2b: {  	_ =	swait.ge [sflag:s29], $0x1  }
0x2c: {  	[sflag:s29] =	ssyncadd.s32 $0xFFFFFFFF  }
0x2d: {  	_ =	strace $0x90000048  }
0x2e: {  	_ =	sfence  }
0x2f: {  	s30 =	sld [smem:$0x0];
	_ =	sdelay $0x2  }
0x30: {  	s31 =	sshll.u32 s1, $0xD;
	s1 =	sshrl.u32 s1, $0x2  }
0x31: {  	s3 =	sand.u32 $0x4000, s31;
	s1 =	sadd.s32 s1, s30  }
0x32: {  	s0 =	sor.u32 s3, s0;
	s1 =	sshll.u32 s1, $0x11  }
0x33: {  	s0 =	sor.u32 s1, s0  }
0x34: {  	s0 =	sadd.s32 $0x8F2B, s0  }
0x35: {  	[sflag:s0] =	ssyncadd.remote.s32 $0x1  }
0x36: {  	_ =	sfence.sel $0xFFFF  }
0x37: {  	[dreg:$0x0] =	wrdreg $0xFFFFFFFF;
	(pc) =	sbr.abs _section_cstart, $3  }
0x38: {  	[dreg:$0x1] =	wrdreg $0xFFFFFFFF  }
0x39: {  	_ =	task.clear_ibuf [dreg:s7], $0x2FFFF;
	_ =	strace $0x9FFFFFFF  }
0x3a: {  	(tm) =	ssettm $0x7FFFFFFF  }
0x3b: {  	_ =	shalt  }
tec
execute0_lowered:
.L_overlay_start_1:
0x0: {  	(tag) =	ssettag $0x1  }
0x1: {  	s4 =	rddreg [dreg:$0x0]  }
0x2: {  	s2 =	rddreg [dreg:$0x1]  }
0x3: {  	s0 =	stileid.u32;
	s1 =	rddreg [dreg:$0x2];
	_ =	strace $0x80000047  }
0x4: {  	s6 =	srdreg.scid;
	s31 =	simm.s32 $0x2;
	s15 =	simm.s32 $0x0  }
0x5: {  	s18 =	simm.s32 $0x0;
	s17 =	simm.s32 $0x0;
	s16 =	simm.s32 $0x0  }
0x6: {  	s10 =	simm.s32 $0x0;
	s11 =	simm.s32 $0x0;
	s3 =	sshll.u32 s0, $0x7  }
0x7: {  	s14 =	simm.s32 $0x0;
	s6 =	sshll.u32 s6, $0x4;
	s3 =	sand.u32 $0x180, s3  }
0x8: {  	s4 =	sadd.s32 $0x101400, s4;
	s6 =	sand.u32 $0x10, s6;
	s5 =	ssub.s32 $0x200, s3  }
0x9: {  	s7 =	sand.u32 $0x180, s5;
	s8 =	sshrl.u32 s5, $0x9;
	s5 =	simm.s32 $0x1  }
.Ltmp0:
0xa: {  	p0 =	sne.s32 s7, $0x0;
	s7 =	simm.s32 $0x1;
	(pc) =	sbr.rel .LBB1_1-.Ltmp0, $4  }
0xb: {  	s9 =	sor.u32 s0, s6;
	[sflag:s5] =	ssyncpa.u1 $0x0;
	s7 =	simm.s32 @!p0 $0x0  }
0xc: {  	s13 =	smov.u32 s3;
	[sflag:s31] =	ssyncpa.u1 $0x0;
	s30 =	sadd.s32 s7, s8  }
0xd: {  	p0 =	por $0x0, $0x0;
	s7 =	sshrl.u32 s9, $0x2;
	s6 =	sshll.u32 s30, $0x4  }
0xe: {  	s9 =	simm.s32 $0x4000;
	s12 =	smov.u32 s7;
	s8 =	sor.u32 $0x1, s6  }
.LBB1_4:
0xf: {  	v5 =	vld [tilespmem:s22+$0xFFFFFFD0];
	[tilespmem:s21+$0x2040 ss:$0x81] =	vst.msk $0xffff, v1  }
0x10: {  	v58 =	vld [tilespmem:s22+$0xFFFFFFE0];
	[tilespmem:s21+$0x2850 ss:$0x81] =	vst.msk $0xffff, v2  }
0x11: {  	s23 =	sshra.s32 s23, $0x2;
	v59 =	vld [tilespmem:s22+$0xFFFFFFF0];
	[tilespmem:s21+$0x3060 ss:$0x81] =	vst.msk $0xffff, v3  }
0x12: {  	v60 =	vld [tilespmem:s22+$0x0];
	[tilespmem:s21+$0x0 ss:$0x81] =	vst.msk $0xffff, v0;
	s20 =	sadd.s32 s23, s20  }
0x13: {  	v61 =	vld [tilespmem:s22+$0x10];
	[tilespmem:s20+$0x3870 ss:$0x81] =	vst.msk $0xffff, v4  }
0x14: {  	v62 =	vld [tilespmem:s22+$0x20];
	s27 =	sshll.u32 s16, $0x1;
	s18 =	sshll.u32 s18, $0x7;
	[tilespmem:s20+$0x810 ss:$0x81] =	vst.msk $0xffff, v5  }
0x15: {  	v63 =	vld [tilespmem:s22+$0xFFFFFFC0];
	s28 =	sand.u32 $0x78, s16;
	s17 =	sshll.u32 s17, $0x7;
	s29 =	sshrl.u32 s16, $0x2;
	[tilespmem:s20+$0x1020 ss:$0x81] =	vst.msk $0xffff, v58  }
0x16: {  	s15 =	sshll.u32 s15, $0xB;
	s18 =	sand.u32 $0x80, s18;
	s21 =	sand.u32 $0x100, s27;
	[tilespmem:s20+$0x1830 ss:$0x81] =	vst.msk $0xffff, v59  }
0x17: {  	s30 =	sand.u32 $0x40, s29;
	s17 =	sadd.s32 s2, s17;
	s21 =	sor.u32 s28, s21;
	[tilespmem:s20+$0x2040 ss:$0x81] =	vst.msk $0xffff, v60  }
0x18: {  	s31 =	sand.u32 $0x7, s16;
	s17 =	sadd.s32 s30, s17;
	s18 =	sor.u32 s18, s21;
	[tilespmem:s20+$0x2850 ss:$0x81] =	vst.msk $0xffff, v61  }
0x19: {  	s16 =	sshll.u32 s31, $0x12;
	s15 =	sadd.s32 s15, s17;
	s18 =	sshrl.u32 s18, $0x3;
	[tilespmem:s20+$0x3060 ss:$0x81] =	vst.msk $0xffff, v62  }
0x1a: {  	s16 =	sor.u32 $0x80, s16;
	[tilespmem:s20+$0x0 ss:$0x81] =	vst.msk $0xffff, v63;
	s15 =	sadd.s32 s18, s15  }
0x1b: {  	[hbm4b:s15+s16] =	stream.strided.scatter [tilespmem:s19], [sflag:$0x2], $0x4000, s9, s16, $0x20;
	[tilespmem:$0x10100] =	vst v63  }
.LBB1_5:
0x1c: {  	s19 =	sadd.s32 $0x80, s10  }
0x1d: {  	s15 =	simm.s32 $0x1;
	p2 =	sgt.s32 s19, $0x1FF  }
0x1e: {  	s15 =	simm.s32 @!p2 $0x0  }
0x1f: {  	s20 =	sadd.s32 s15, s11  }
0x20: {  	s21 =	smov.u32 s12;
	s15 =	sadd.s32 $0x8, s12;
	p3 =	sgt.s32 s20, $0x1  }
0x21: {  	s21 =	smov.u32 @p3 s15  }
0x22: {  	s22 =	smov.u32 s13;
	s15 =	sadd.s32 $0x200, s13;
	p4 =	sgt.s32 s21, $0xF  }
0x23: {  	p1 =	slt.u32 s14, $0x2;
	s22 =	smov.u32 @p4 s15  }
0x24: {  	s18 =	smov.u32 s11;
	s19 =	simm.s32 @p2 $0x0;
	p2 =	sgt.s32 s22, $0x1FF  }
0x25: {  	s23 =	simm.s32 @!p1 $0x2;
	s22 =	smov.u32 @p2 s3;
	p2 =	sne.s32 s14, s8  }
.Ltmp1:
0x26: {  	s17 =	smov.u32 s12;
	_ =	swait.ge @!p1 [sflag:s23], $0x4000;
	(pc) =	sbr.rel @!p2 .LBB1_6-.Ltmp1, $4  }
0x27: {  	s16 =	smov.u32 s13;
	[sflag:s23] =	ssyncset.done @!p1 $0x0;
	s20 =	simm.s32 @p3 $0x0  }
0x28: {  	p0 =	por !p0, !p0;
	[sflag:s23] =	ssyncadd.s32 @!p1 $0xFFFFC000;
	s11 =	smov.u32 s20  }
0x29: {  	s21 =	smov.u32 @p4 s7;
	s15 =	smov.u32 s10;
	s10 =	smov.u32 s19  }
0x2a: {  	s12 =	smov.u32 s21;
	s14 =	sadd.s32 $0x1, s14;
	s13 =	smov.u32 s22  }
.LBB1_1:
0x2b: {  	p1 =	sge.u32 s14, s6  }
0x2c: {  	s31 =	sadd.s32 $0xFFFFFFFF, s14;
	s19 =	sxor.u32 @!p1 $0xFFFFFFFF, s14;
	s20 =	sshll.u32 @!p1 s11, $0x7  }
0x2d: {  	s21 =	sand.u32 @!p1 $0x78, s10;
	s22 =	sshll.u32 @!p1 s10, $0x1;
	s23 =	sshrl.u32 @!p1 s10, $0x2  }
0x2e: {  	s20 =	sand.u32 @!p1 $0x80, s20;
	s19 =	sshll.u32 @!p1 s19, $0xE;
	s22 =	sand.u32 @!p1 $0x100, s22  }
0x2f: {  	s23 =	sand.u32 @!p1 $0x40, s23;
	s20 =	sor.u32 @!p1 s20, s21;
	s21 =	sshll.u32 @!p1 s13, $0xB  }
0x30: {  	s20 =	sor.u32 @!p1 s22, s20;
	s22 =	sshll.u32 @!p1 s12, $0x7;
	s21 =	sadd.s32 @!p1 s4, s21  }
0x31: {  	s19 =	sand.u32 @!p1 $0x4000, s19;
	s21 =	sadd.s32 @!p1 s22, s21;
	s22 =	sand.u32 @!p1 $0x7, s10  }
0x32: {  	s20 =	sshrl.u32 @!p1 s20, $0x3;
	s21 =	sadd.s32 @!p1 s23, s21;
	s22 =	sshll.u32 @!p1 s22, $0x12  }
0x33: {  	s20 =	sadd.s32 @!p1 s20, s21;
	s21 =	sor.u32 @!p1 $0x80, s22;
	s22 =	simm.s32 @!p1 $0x4000  }
0x34: {  	[tilespmem:s19], [sflag:$0x1] =	stream.strided.gather @!p1 [hbm4b:s20+s21], $0x4000, s22, s21, $0x38;
	[tilespmem:$0x10100] =	vst v63  }
0x35: {  	p1 =	sge.u32 s31, s6  }
.Ltmp2:
0x36: {  	_ = 	snop;
	(pc) =	sbr.rel @p1 .LBB1_5-.Ltmp2, $1  }
0x37: {  	_ =	sdelay $0x3  }
0x38: {  	s19 =	simm.s32 $0x1  }
0x39: {  	_ =	swait.ge [sflag:s5], $0x4000;
	s19 =	simm.s32 @!p0 $0x0  }
0x3a: {  	[sflag:s5] =	ssyncset.done $0x0;
	s20 =	sshll.u32 s19, $0xE  }
0x3b: {  	[sflag:s5] =	ssyncadd.s32 $0xFFFFC000;
	s22 =	sor.u32 $0x40, s20  }
0x3c: {  	s19 =	smul.u32 $0x10200, s19;
	v0 =	vld [tilespmem:s22+$0x30]  }
0x3d: {  	v3 =	vld [tilespmem:s22+$0xFFFFFFD0]  }
0x3e: {  	s19 =	sshrl.u32 s19, $0x2;
	v4 =	vld [tilespmem:s22+$0xFFFFFFE0]  }
0x3f: {  	v5 =	vld [tilespmem:s22+$0xFFFFFFF0];
	s20 =	sor.u32 $0x8000, s19  }
0x40: {  	s31 =	sand.u32 $0x1, s14;
	v1 =	vld [tilespmem:s22+$0x0];
	s21 =	sadd.s32 $0x0, s20  }
0x41: {  	v2 =	vld [tilespmem:s22+$0x10];
	s19 =	smul.u32 $0x10200, s31;
	[tilespmem:s21+$0x3870 ss:$0x81] =	vst.msk $0xffff, v0  }
0x42: {  	[tilespmem:s21+$0x810 ss:$0x81] =	vst.msk $0xffff, v3;
	v3 =	vld [tilespmem:s22+$0x20]  }
0x43: {  	s19 =	sshrl.u32 s19, $0x2;
	v0 =	vld [tilespmem:s22+$0xFFFFFFC0];
	[tilespmem:s21+$0x1020 ss:$0x81] =	vst.msk $0xffff, v4;
	s22 =	sadd.s32 $0x80, s22  }
0x44: {  	s23 =	simm.s32 $0x4;
	s24 =	simm.s32 $0x8;
	s19 =	sor.u32 $0x8000, s19;
	[tilespmem:s21+$0x1830 ss:$0x81] =	vst.msk $0xffff, v5;
	v4 =	vld [tilespmem:s22+$0x30]  }
.LBB1_3:
0x45: {  	p1 =	sne.s32 s24, $0x1FC;
	v5 =	vld [tilespmem:s22+$0xFFFFFFD0];
	[tilespmem:s21+$0x2040 ss:$0x81] =	vst.msk $0xffff, v1  }
0x46: {  	v6 =	vld [tilespmem:s22+$0xFFFFFFE0];
	[tilespmem:s21+$0x2850 ss:$0x81] =	vst.msk $0xffff, v2  }
0x47: {  	s25 =	sshra.s32 s23, $0x2;
	s23 =	smov.u32 s24;
	v7 =	vld [tilespmem:s22+$0xFFFFFFF0];
	[tilespmem:s21+$0x3060 ss:$0x81] =	vst.msk $0xffff, v3  }
.Ltmp3:
0x48: {  	v1 =	vld [tilespmem:s22+$0x0];
	[tilespmem:s21+$0x0 ss:$0x81] =	vst.msk $0xffff, v0;
	s21 =	sadd.s32 s25, s20;
	(pc) =	sbr.rel @p1 .LBB1_3-.Ltmp3, $4  }
0x49: {  	v2 =	vld [tilespmem:s22+$0x10];
	[tilespmem:s21+$0x3870 ss:$0x81] =	vst.msk $0xffff, v4  }
0x4a: {  	[tilespmem:s21+$0x810 ss:$0x81] =	vst.msk $0xffff, v5;
	v3 =	vld [tilespmem:s22+$0x20]  }
0x4b: {  	v0 =	vld [tilespmem:s22+$0xFFFFFFC0];
	[tilespmem:s21+$0x1020 ss:$0x81] =	vst.msk $0xffff, v6;
	s22 =	sadd.s32 $0x80, s22  }
0x4c: {  	s24 =	sadd.s32 $0x4, s24;
	v4 =	vld [tilespmem:s22+$0x30];
	[tilespmem:s21+$0x1830 ss:$0x81] =	vst.msk $0xffff, v7  }
.Ltmp4:
0x4d: {  	_ = 	snop;
	(pc) =	sbr.rel .LBB1_4-.Ltmp4, $1  }
0x4e: {  	_ =	sdelay $0x3  }
.LBB1_6:
0x4f: {  	_ =	sfence.sel $0x180000  }
0x50: {  	s2 =	simm.s32 $0x1;
	[bflag:$0x0] =	sbarrier.arrive $0xFFFF  }
0x51: {  	s31 =	simm.s32 $0x2;
	[sflag:s2] =	ssyncpa.u1 $0x1  }
0x52: {  	[sflag:s31] =	ssyncpa.u1 $0x1  }
0x53: {  	p0 =	sne.s32 s0, $0x0;
	_ =	strace $0x90000047  }
0x54: {  	s0 =	sadd.s32 @!p0 $0x100000, s1;
	[bflag:$0x2] =	sbarrier.arrive $0xFFFF  }
0x55: {  	[sflag:s0] =	ssyncadd.tile.s32 @!p0 $0x1;
	_ =	shalt  }
.Lfunc_end1:
_tile_overlayer_lowered:
.L_overlay_start_2:
0x56: {  	(tag) =	ssettag $0x2  }
0x57: {  	s0 =	rddreg [dreg:$0x0];
	s2 =	stileid.u32  }
0x58: {  	s1 =	rddreg [dreg:$0x1];
	p0 =	sne.s32 s2, $0x0  }
0x59: {  	s3 =	rddreg [dreg:$0x2];
	[bflag:$0x3] =	sbarrier.arrive $0xFFFF;
	s2 =	simm.s32 @!p0 $0x1C01  }
0x5a: {  	[timem:s3], [sflag:s2] =	dma.local @!p0 [hbm:s0], s1  }
0x5b: {  	s0 =	simm.s32 @!p0 $0x1  }
0x5c: {  	_ =	swait.ge @!p0 [sflag:s0], s1  }
0x5d: {  	s1 =	ssub.s32 @!p0 $0x0, s1;
	[sflag:s0] =	ssyncset.done @!p0 $0x0  }
0x5e: {  	[sflag:s0] =	ssyncadd.s32 @!p0 s1  }
0x5f: {  	[bflag:$0x3] =	sbarrier.arrive $0xFFFF  }
0x60: {  	_ =	shalt  }

</sc_bundles>
